<compile_context>
chip_gen: v7x
topology: tpu7x:2x2x1
jax: 0.10.2.dev20260603
libtpu: 0.0.44.dev20260713+nightly
codegen_flags: <defaults>
</compile_context>

<pallas_src>
import functools

import jax
import jax.numpy as jnp
from jax import lax
from jax.experimental import pallas as pl
from jax.experimental.pallas import tpu as pltpu
from jax.experimental.pallas import tpu_sc as plsc

B, D, T = 32, 128, 4096
K = 1024
TBLK = 512
M = B * T


def _codes_kernel(lat_ref, cb_ref, codes_ref):
    lat = lat_ref[0]
    cb = cb_ref[...]

    lat2 = lat * (-2.0)
    xwT = jax.lax.dot_general(
        cb, lat2, (((1,), (0,)), ((), ())),
        preferred_element_type=jnp.float32)
    w2 = jnp.sum(cb * cb, axis=1, keepdims=True)
    v = xwT + w2

    ids = jax.lax.broadcasted_iota(jnp.int32, v.shape, 0)
    r = K
    while r > 8:
        h = r // 2
        a, b_ = v[:h], v[h:]
        keep = a <= b_
        v = jnp.where(keep, a, b_)
        ids = jnp.where(keep, ids[:h], ids[h:])
        r = h
    m = jnp.min(v, axis=0, keepdims=True)
    cand = jnp.where(v == m, ids, K)
    codes_ref[0, 0, :] = jnp.min(cand, axis=0)


def _codes_quant_kernel(lat_ref, cb_ref, codes_ref, quant_ref):
    lat = lat_ref[0]
    cb = cb_ref[...]
    lat2 = lat * (-2.0)
    xwT = jax.lax.dot_general(
        cb, lat2, (((1,), (0,)), ((), ())),
        preferred_element_type=jnp.float32)
    w2 = jnp.sum(cb * cb, axis=1, keepdims=True)
    v = xwT + w2
    full_ids = jax.lax.broadcasted_iota(jnp.int32, v.shape, 0)
    ids = full_ids
    r = K
    while r > 8:
        h = r // 2
        a, b_ = v[:h], v[h:]
        keep = a <= b_
        v = jnp.where(keep, a, b_)
        ids = jnp.where(keep, ids[:h], ids[h:])
        r = h
    m = jnp.min(v, axis=0, keepdims=True)
    cand = jnp.where(v == m, ids, K)
    code = jnp.min(cand, axis=0, keepdims=True)
    codes_ref[0, 0, :] = code[0]
    ohT = (full_ids == code).astype(jnp.float32)
    quant_ref[0] = jax.lax.dot_general(
        ohT, cb, (((0,), (0,)), ((), ())),
        preferred_element_type=jnp.float32)


NSEG = 4
BSEG = B // NSEG


def _compute_codes_seg(latents, code_embed, seg):
    b0 = seg * BSEG
    codes3 = pl.pallas_call(
        _codes_kernel,
        grid=(BSEG, T // TBLK),
        in_specs=[
            pl.BlockSpec((1, D, TBLK), lambda b, t: (b + b0, 0, t)),
            pl.BlockSpec((K, D), lambda b, t: (0, 0)),
        ],
        out_specs=pl.BlockSpec((1, 1, TBLK), lambda b, t: (b, 0, t)),
        out_shape=jax.ShapeDtypeStruct((BSEG, 1, T), jnp.int32),
    )(latents, code_embed)
    return codes3.reshape(BSEG, T)


def _compute_codes_quant_seg(latents, code_embed, seg):
    b0 = seg * BSEG
    codes3, quant = pl.pallas_call(
        _codes_quant_kernel,
        grid=(BSEG, T // TBLK),
        in_specs=[
            pl.BlockSpec((1, D, TBLK), lambda b, t: (b + b0, 0, t)),
            pl.BlockSpec((K, D), lambda b, t: (0, 0)),
        ],
        out_specs=[
            pl.BlockSpec((1, 1, TBLK), lambda b, t: (b, 0, t)),
            pl.BlockSpec((1, TBLK, D), lambda b, t: (b, t, 0)),
        ],
        out_shape=[
            jax.ShapeDtypeStruct((BSEG, 1, T), jnp.int32),
            jax.ShapeDtypeStruct((BSEG, T, D), jnp.float32),
        ],
    )(latents, code_embed)
    return codes3.reshape(BSEG, T), quant.reshape(MSEG, D)


CH = 128
NBUF = 4


MSEG = M // NSEG


N_SC_SEGS = NSEG - 1


def _make_sc_gather():
    info = plsc.get_sparse_core_info()
    NC, NS = info.num_cores, info.num_subcores
    NW = NC * NS
    w_rows = MSEG // NW
    n_chunks = w_rows // CH
    mesh = plsc.VectorSubcoreMesh(core_axis_name="c", subcore_axis_name="s")

    @functools.partial(
        pl.kernel, mesh=mesh,
        out_type=jax.ShapeDtypeStruct((N_SC_SEGS * MSEG, D), jnp.float32),
        scratch_types=[
            pltpu.VMEM((n_chunks, CH), jnp.int32),
            pltpu.VMEM((NBUF, CH, D), jnp.float32),
            pltpu.SemaphoreType.DMA,
            pltpu.SemaphoreType.DMA,
        ],
    )
    def gather_k(i0, i1, i2, table_hbm, out_hbm, idx_v, rows_v, sem_g, sem_s):
        wid = lax.axis_index("s") * NC + lax.axis_index("c")
        for q, idx_hbm in enumerate((i0, i1, i2)):
            base = q * MSEG + wid * w_rows
            pltpu.sync_copy(idx_hbm.at[pl.ds(wid * n_chunks, n_chunks)], idx_v)

            def body(g, carry):
                gath = [
                    pltpu.async_copy(
                        table_hbm.at[idx_v.at[g * NBUF + b]],
                        rows_v.at[b], sem_g)
                    for b in range(NBUF)
                ]
                stores = []
                for b in range(NBUF):
                    gath[b].wait()
                    stores.append(pltpu.async_copy(
                        rows_v.at[b],
                        out_hbm.at[pl.ds(base + (g * NBUF + b) * CH, CH)],
                        sem_s))
                for s in stores:
                    s.wait()
                return carry

            lax.fori_loop(0, n_chunks // NBUF, body, 0)

    return gather_k


_sc_gather = _make_sc_gather()


def kernel(latents, code_embed):
    codes_segs = []
    idx_segs = []
    for seg in range(N_SC_SEGS):
        c = _compute_codes_seg(latents, code_embed, seg)
        codes_segs.append(c)
        idx_segs.append(c.reshape(MSEG // CH, CH))
    c_last, q_last = _compute_codes_quant_seg(latents, code_embed, NSEG - 1)
    codes_segs.append(c_last)
    q_sc = _sc_gather(*idx_segs, code_embed)
    codes = jnp.concatenate(codes_segs, axis=0)
    quant = jnp.concatenate([q_sc, q_last], axis=0)
    return quant.reshape(B, T, D), codes

# --- scband reference (transcript-rebuilt; emitter-appended) ---
"""Pipeline reference for scband-encodec-wrapper-70231305224650 (READ-ONLY COPY).

The authoritative reference and input builder live on the scoring server;
editing this copy changes nothing except your own understanding.
"""

import jax, jax.numpy as jnp
import numpy as np


def setup_inputs(seed: int = 0) -> dict:
    key = jax.random.key(seed)
    k1, k2 = jax.random.split(key)
    latents = jax.random.normal(k1, (32, 128, 4096), dtype=jnp.float32)
    code_embed = jax.random.normal(k2, (1024, 128), dtype=jnp.float32)
    return {"latents": latents, "code_embed": code_embed}


def reference(latents, code_embed):
    # Faithful jax translation of EncodecWrapper.decode's kNN stage:
    #   latents = latents.permute(0, 2, 1)
    #   codes = torch.cdist(latents, code_embed.weight[None, None]).argmin(-1)
    # followed by embedding lookup of the nearest code (the quantized latent
    # actually consumed downstream). We compute squared Euclidean distance;
    # argmin is invariant to the sqrt in torch.cdist.
    x = jnp.transpose(latents, (0, 2, 1))  # (B, T, d)
    x2 = jnp.sum(x * x, axis=-1, keepdims=True)            # (B, T, 1)
    w2 = jnp.sum(code_embed * code_embed, axis=-1)         # (K,)
    xw = jnp.einsum('btd,kd->btk', x, code_embed)          # (B, T, K) main GEMM
    d2 = x2 - 2.0 * xw + w2[None, None, :]
    codes = jnp.argmin(d2, axis=-1)                        # (B, T) int
    quantized = jnp.take(code_embed, codes, axis=0)        # (B, T, d) gather
    return quantized, codes

if __name__ == "__main__":
    import jax
    _d = setup_inputs()
    print(jax.jit(kernel)(*tuple(_d.values())))

</pallas_src>

<mosaic_0001>
#map = affine_map<(d0, d1) -> (0, 0)>
module attributes {stable_mosaic.version = 14 : i64} {
  func.func @gather_k(%arg0: i32, %arg1: i32, %arg2: memref<256x128xi32, #tpu.memory_space<hbm>>, %arg3: memref<256x128xi32, #tpu.memory_space<hbm>>, %arg4: memref<256x128xi32, #tpu.memory_space<hbm>>, %arg5: memref<1024x128xf32, #tpu.memory_space<hbm>>, %arg6: memref<98304x128xf32, #tpu.memory_space<hbm>>, %arg7: memref<8x128xi32, #tpu.memory_space<vmem>>, %arg8: memref<4x128x128xf32, #tpu.memory_space<vmem>>, %arg9: memref<!tpu.dma_semaphore, #tpu.memory_space<semaphore_mem>>, %arg10: memref<!tpu.dma_semaphore, #tpu.memory_space<semaphore_mem>>) attributes {dimension_semantics = [#tpu.dimension_semantics<core_parallel>, #tpu.dimension_semantics<subcore_parallel>], iteration_bounds = array<i64: 2, 16>, scalar_prefetch = 0 : i64, scratch_operands = 4 : i64, tpu.core_type = #tpu.core_type<sc_vector_subcore>, window_params = [{transform_indices = #map}, {transform_indices = #map}, {transform_indices = #map}, {transform_indices = #map}, {transform_indices = #map}]} {
    %mul3A = arith.constant 2 : i32
    %mul3A_0 = arith.muli %arg1, %mul3A : i32
    %add3A = arith.addi %mul3A_0, %arg0 : i32
    %mul3A_1 = arith.constant 1024 : i32
    %mul3A_2 = arith.muli %add3A, %mul3A_1 : i32
    %add3A_3 = arith.constant 0 : i32
    %add3A_4 = arith.addi %add3A_3, %mul3A_2 : i32
    %mul3A_5 = arith.constant 8 : i32
    %mul3A_6 = arith.muli %add3A, %mul3A_5 : i32
    "tpu.region"() ({
      %run_scoped3A = tpu.sem_alloc : memref<!tpu.dma_semaphore, #tpu.memory_space<semaphore_mem>>
      %dma_start3A = arith.constant 0 : i32
      %dma_start3A_36 = tpu.memref_slice %arg2[%mul3A_6, %dma_start3A] : memref<256x128xi32, #tpu.memory_space<hbm>> -> memref<8x128xi32, #tpu.memory_space<hbm>>
      %dma_start3A_37 = arith.constant 0 : i32
      %dma_start3A_38 = tpu.memref_slice %arg2[%mul3A_6, %dma_start3A_37] : memref<256x128xi32, #tpu.memory_space<hbm>> -> memref<8x128xi32, #tpu.memory_space<hbm>>
      tpu.enqueue_dma source(%dma_start3A_38 : memref<8x128xi32, #tpu.memory_space<hbm>>) target(%arg7 : memref<8x128xi32, #tpu.memory_space<vmem>>) target_semaphore(%run_scoped3A : memref<!tpu.dma_semaphore, #tpu.memory_space<semaphore_mem>>)
      %dma_wait3A = arith.constant 0 : i32
      %dma_wait3A_39 = tpu.memref_slice %arg2[%mul3A_6, %dma_wait3A] : memref<256x128xi32, #tpu.memory_space<hbm>> -> memref<8x128xi32, #tpu.memory_space<hbm>>
      %dma_wait3A_40 = arith.constant 0 : i32
      %dma_wait3A_41 = tpu.memref_slice %arg2[%mul3A_6, %dma_wait3A_40] : memref<256x128xi32, #tpu.memory_space<hbm>> -> memref<8x128xi32, #tpu.memory_space<hbm>>
      tpu.wait_dma2 semaphore(%run_scoped3A : memref<!tpu.dma_semaphore, #tpu.memory_space<semaphore_mem>>) src(%dma_wait3A_41 : memref<8x128xi32, #tpu.memory_space<hbm>>) dst(%arg7 : memref<8x128xi32, #tpu.memory_space<vmem>>)
      tpu.yield
    }) : () -> ()
    %scan3A = arith.constant 0 : i32
    %scan3A_7 = arith.constant 0 : i32
    %scan3A_8 = arith.constant 2 : i32
    %scan3A_9 = arith.addi %scan3A_7, %scan3A_8 : i32
    %scan3A_10 = arith.constant 1 : i32
    scf.for %scan3A_36 = %scan3A_7 to %scan3A_9 step %scan3A_10  : i32 {
      %mul3A_37 = arith.constant 4 : i32
      %mul3A_38 = arith.muli %scan3A_36, %mul3A_37 : i32
      %add3A_39 = arith.constant 0 : i32
      %add3A_40 = arith.addi %mul3A_38, %add3A_39 : i32
      %dma_start3A = arith.constant 0 : i32
      %dma_start3A_41 = arith.constant 0 : i32
      %dma_start3A_42 = arith.constant 0 : i32
      %dma_start3A_43 = tpu.memref_slice %arg8[%dma_start3A, %dma_start3A_41, %dma_start3A_42] : memref<4x128x128xf32, #tpu.memory_space<vmem>> -> memref<1x128x128xf32, #tpu.memory_space<vmem>>
      %dma_start3A_44 = tpu.memref_squeeze %dma_start3A_43 : memref<1x128x128xf32, #tpu.memory_space<vmem>> -> memref<128x128xf32, #tpu.memory_space<vmem>>
      %dma_start3A_45 = arith.constant 0 : i32
      %dma_start3A_46 = tpu.memref_slice %arg7[%add3A_40, %dma_start3A_45] : memref<8x128xi32, #tpu.memory_space<vmem>> -> memref<1x128xi32, #tpu.memory_space<vmem>>
      %dma_start3A_47 = tpu.memref_squeeze %dma_start3A_46 : memref<1x128xi32, #tpu.memory_space<vmem>> -> memref<128xi32, #tpu.memory_space<vmem>>
      %dma_start3A_48 = arith.constant 0 : i32
      %dma_start3A_49 = arith.constant 0 : i32
      %dma_start3A_50 = tpu.memref_slice %arg5[%dma_start3A_48, %dma_start3A_49] : memref<1024x128xf32, #tpu.memory_space<hbm>> -> memref<1024x128xf32, #tpu.memory_space<hbm>>
      tpu.enqueue_indirect_dma source(%dma_start3A_50 : memref<1024x128xf32, #tpu.memory_space<hbm>>) target(%dma_start3A_44 : memref<128x128xf32, #tpu.memory_space<vmem>>) offsets(%dma_start3A_47 : memref<128xi32, #tpu.memory_space<vmem>>) semaphore(%arg9 : memref<!tpu.dma_semaphore, #tpu.memory_space<semaphore_mem>>)
      %mul3A_51 = arith.constant 4 : i32
      %mul3A_52 = arith.muli %scan3A_36, %mul3A_51 : i32
      %add3A_53 = arith.constant 1 : i32
      %add3A_54 = arith.addi %mul3A_52, %add3A_53 : i32
      %dma_start3A_55 = arith.constant 1 : i32
      %dma_start3A_56 = arith.constant 0 : i32
      %dma_start3A_57 = arith.constant 0 : i32
      %dma_start3A_58 = tpu.memref_slice %arg8[%dma_start3A_55, %dma_start3A_56, %dma_start3A_57] : memref<4x128x128xf32, #tpu.memory_space<vmem>> -> memref<1x128x128xf32, #tpu.memory_space<vmem>>
      %dma_start3A_59 = tpu.memref_squeeze %dma_start3A_58 : memref<1x128x128xf32, #tpu.memory_space<vmem>> -> memref<128x128xf32, #tpu.memory_space<vmem>>
      %dma_start3A_60 = arith.constant 0 : i32
      %dma_start3A_61 = tpu.memref_slice %arg7[%add3A_54, %dma_start3A_60] : memref<8x128xi32, #tpu.memory_space<vmem>> -> memref<1x128xi32, #tpu.memory_space<vmem>>
      %dma_start3A_62 = tpu.memref_squeeze %dma_start3A_61 : memref<1x128xi32, #tpu.memory_space<vmem>> -> memref<128xi32, #tpu.memory_space<vmem>>
      %dma_start3A_63 = arith.constant 0 : i32
      %dma_start3A_64 = arith.constant 0 : i32
      %dma_start3A_65 = tpu.memref_slice %arg5[%dma_start3A_63, %dma_start3A_64] : memref<1024x128xf32, #tpu.memory_space<hbm>> -> memref<1024x128xf32, #tpu.memory_space<hbm>>
      tpu.enqueue_indirect_dma source(%dma_start3A_65 : memref<1024x128xf32, #tpu.memory_space<hbm>>) target(%dma_start3A_59 : memref<128x128xf32, #tpu.memory_space<vmem>>) offsets(%dma_start3A_62 : memref<128xi32, #tpu.memory_space<vmem>>) semaphore(%arg9 : memref<!tpu.dma_semaphore, #tpu.memory_space<semaphore_mem>>)
      %mul3A_66 = arith.constant 4 : i32
      %mul3A_67 = arith.muli %scan3A_36, %mul3A_66 : i32
      %add3A_68 = arith.constant 2 : i32
      %add3A_69 = arith.addi %mul3A_67, %add3A_68 : i32
      %dma_start3A_70 = arith.constant 2 : i32
      %dma_start3A_71 = arith.constant 0 : i32
      %dma_start3A_72 = arith.constant 0 : i32
      %dma_start3A_73 = tpu.memref_slice %arg8[%dma_start3A_70, %dma_start3A_71, %dma_start3A_72] : memref<4x128x128xf32, #tpu.memory_space<vmem>> -> memref<1x128x128xf32, #tpu.memory_space<vmem>>
      %dma_start3A_74 = tpu.memref_squeeze %dma_start3A_73 : memref<1x128x128xf32, #tpu.memory_space<vmem>> -> memref<128x128xf32, #tpu.memory_space<vmem>>
      %dma_start3A_75 = arith.constant 0 : i32
      %dma_start3A_76 = tpu.memref_slice %arg7[%add3A_69, %dma_start3A_75] : memref<8x128xi32, #tpu.memory_space<vmem>> -> memref<1x128xi32, #tpu.memory_space<vmem>>
      %dma_start3A_77 = tpu.memref_squeeze %dma_start3A_76 : memref<1x128xi32, #tpu.memory_space<vmem>> -> memref<128xi32, #tpu.memory_space<vmem>>
      %dma_start3A_78 = arith.constant 0 : i32
      %dma_start3A_79 = arith.constant 0 : i32
      %dma_start3A_80 = tpu.memref_slice %arg5[%dma_start3A_78, %dma_start3A_79] : memref<1024x128xf32, #tpu.memory_space<hbm>> -> memref<1024x128xf32, #tpu.memory_space<hbm>>
      tpu.enqueue_indirect_dma source(%dma_start3A_80 : memref<1024x128xf32, #tpu.memory_space<hbm>>) target(%dma_start3A_74 : memref<128x128xf32, #tpu.memory_space<vmem>>) offsets(%dma_start3A_77 : memref<128xi32, #tpu.memory_space<vmem>>) semaphore(%arg9 : memref<!tpu.dma_semaphore, #tpu.memory_space<semaphore_mem>>)
      %mul3A_81 = arith.constant 4 : i32
      %mul3A_82 = arith.muli %scan3A_36, %mul3A_81 : i32
      %add3A_83 = arith.constant 3 : i32
      %add3A_84 = arith.addi %mul3A_82, %add3A_83 : i32
      %dma_start3A_85 = arith.constant 3 : i32
      %dma_start3A_86 = arith.constant 0 : i32
      %dma_start3A_87 = arith.constant 0 : i32
      %dma_start3A_88 = tpu.memref_slice %arg8[%dma_start3A_85, %dma_start3A_86, %dma_start3A_87] : memref<4x128x128xf32, #tpu.memory_space<vmem>> -> memref<1x128x128xf32, #tpu.memory_space<vmem>>
      %dma_start3A_89 = tpu.memref_squeeze %dma_start3A_88 : memref<1x128x128xf32, #tpu.memory_space<vmem>> -> memref<128x128xf32, #tpu.memory_space<vmem>>
      %dma_start3A_90 = arith.constant 0 : i32
      %dma_start3A_91 = tpu.memref_slice %arg7[%add3A_84, %dma_start3A_90] : memref<8x128xi32, #tpu.memory_space<vmem>> -> memref<1x128xi32, #tpu.memory_space<vmem>>
      %dma_start3A_92 = tpu.memref_squeeze %dma_start3A_91 : memref<1x128xi32, #tpu.memory_space<vmem>> -> memref<128xi32, #tpu.memory_space<vmem>>
      %dma_start3A_93 = arith.constant 0 : i32
      %dma_start3A_94 = arith.constant 0 : i32
      %dma_start3A_95 = tpu.memref_slice %arg5[%dma_start3A_93, %dma_start3A_94] : memref<1024x128xf32, #tpu.memory_space<hbm>> -> memref<1024x128xf32, #tpu.memory_space<hbm>>
      tpu.enqueue_indirect_dma source(%dma_start3A_95 : memref<1024x128xf32, #tpu.memory_space<hbm>>) target(%dma_start3A_89 : memref<128x128xf32, #tpu.memory_space<vmem>>) offsets(%dma_start3A_92 : memref<128xi32, #tpu.memory_space<vmem>>) semaphore(%arg9 : memref<!tpu.dma_semaphore, #tpu.memory_space<semaphore_mem>>)
      %dma_wait3A = arith.constant 0 : i32
      %dma_wait3A_96 = arith.constant 0 : i32
      %dma_wait3A_97 = arith.constant 0 : i32
      %dma_wait3A_98 = tpu.memref_slice %arg8[%dma_wait3A, %dma_wait3A_96, %dma_wait3A_97] : memref<4x128x128xf32, #tpu.memory_space<vmem>> -> memref<1x128x128xf32, #tpu.memory_space<vmem>>
      %dma_wait3A_99 = tpu.memref_squeeze %dma_wait3A_98 : memref<1x128x128xf32, #tpu.memory_space<vmem>> -> memref<128x128xf32, #tpu.memory_space<vmem>>
      %dma_wait3A_100 = arith.constant 0 : i32
      %dma_wait3A_101 = tpu.memref_slice %arg7[%add3A_40, %dma_wait3A_100] : memref<8x128xi32, #tpu.memory_space<vmem>> -> memref<1x128xi32, #tpu.memory_space<vmem>>
      %dma_wait3A_102 = tpu.memref_squeeze %dma_wait3A_101 : memref<1x128xi32, #tpu.memory_space<vmem>> -> memref<128xi32, #tpu.memory_space<vmem>>
      %dma_wait3A_103 = arith.constant 0 : i32
      %dma_wait3A_104 = arith.constant 0 : i32
      %dma_wait3A_105 = tpu.memref_slice %arg5[%dma_wait3A_103, %dma_wait3A_104] : memref<1024x128xf32, #tpu.memory_space<hbm>> -> memref<1024x128xf32, #tpu.memory_space<hbm>>
      tpu.wait_indirect_dma semaphore(%arg9 : memref<!tpu.dma_semaphore, #tpu.memory_space<semaphore_mem>>) src(%dma_wait3A_105 : memref<1024x128xf32, #tpu.memory_space<hbm>>) dst(%dma_wait3A_99 : memref<128x128xf32, #tpu.memory_space<vmem>>)
      %mul3A_106 = arith.constant 4 : i32
      %mul3A_107 = arith.muli %scan3A_36, %mul3A_106 : i32
      %add3A_108 = arith.constant 0 : i32
      %add3A_109 = arith.addi %mul3A_107, %add3A_108 : i32
      %mul3A_110 = arith.constant 128 : i32
      %mul3A_111 = arith.muli %add3A_109, %mul3A_110 : i32
      %add3A_112 = arith.addi %add3A_4, %mul3A_111 : i32
      %dma_start3A_113 = arith.constant 0 : i32
      %dma_start3A_114 = arith.constant 0 : i32
      %dma_start3A_115 = arith.constant 0 : i32
      %dma_start3A_116 = tpu.memref_slice %arg8[%dma_start3A_113, %dma_start3A_114, %dma_start3A_115] : memref<4x128x128xf32, #tpu.memory_space<vmem>> -> memref<1x128x128xf32, #tpu.memory_space<vmem>>
      %dma_start3A_117 = tpu.memref_squeeze %dma_start3A_116 : memref<1x128x128xf32, #tpu.memory_space<vmem>> -> memref<128x128xf32, #tpu.memory_space<vmem>>
      %dma_start3A_118 = arith.constant 0 : i32
      %dma_start3A_119 = tpu.memref_slice %arg6[%add3A_112, %dma_start3A_118] : memref<98304x128xf32, #tpu.memory_space<hbm>> -> memref<128x128xf32, #tpu.memory_space<hbm>>
      %dma_start3A_120 = arith.constant 0 : i32
      %dma_start3A_121 = tpu.memref_slice %arg6[%add3A_112, %dma_start3A_120] : memref<98304x128xf32, #tpu.memory_space<hbm>> -> memref<128x128xf32, #tpu.memory_space<hbm>>
      %dma_start3A_122 = arith.constant 0 : i32
      %dma_start3A_123 = arith.constant 0 : i32
      %dma_start3A_124 = tpu.memref_slice %arg8[%dma_start3A_113, %dma_start3A_122, %dma_start3A_123] : memref<4x128x128xf32, #tpu.memory_space<vmem>> -> memref<1x128x128xf32, #tpu.memory_space<vmem>>
      %dma_start3A_125 = tpu.memref_squeeze %dma_start3A_124 : memref<1x128x128xf32, #tpu.memory_space<vmem>> -> memref<128x128xf32, #tpu.memory_space<vmem>>
      tpu.enqueue_dma source(%dma_start3A_125 : memref<128x128xf32, #tpu.memory_space<vmem>>) target(%dma_start3A_121 : memref<128x128xf32, #tpu.memory_space<hbm>>) target_semaphore(%arg10 : memref<!tpu.dma_semaphore, #tpu.memory_space<semaphore_mem>>)
      %dma_wait3A_126 = arith.constant 1 : i32
      %dma_wait3A_127 = arith.constant 0 : i32
      %dma_wait3A_128 = arith.constant 0 : i32
      %dma_wait3A_129 = tpu.memref_slice %arg8[%dma_wait3A_126, %dma_wait3A_127, %dma_wait3A_128] : memref<4x128x128xf32, #tpu.memory_space<vmem>> -> memref<1x128x128xf32, #tpu.memory_space<vmem>>
      %dma_wait3A_130 = tpu.memref_squeeze %dma_wait3A_129 : memref<1x128x128xf32, #tpu.memory_space<vmem>> -> memref<128x128xf32, #tpu.memory_space<vmem>>
      %dma_wait3A_131 = arith.constant 0 : i32
      %dma_wait3A_132 = tpu.memref_slice %arg7[%add3A_54, %dma_wait3A_131] : memref<8x128xi32, #tpu.memory_space<vmem>> -> memref<1x128xi32, #tpu.memory_space<vmem>>
      %dma_wait3A_133 = tpu.memref_squeeze %dma_wait3A_132 : memref<1x128xi32, #tpu.memory_space<vmem>> -> memref<128xi32, #tpu.memory_space<vmem>>
      %dma_wait3A_134 = arith.constant 0 : i32
      %dma_wait3A_135 = arith.constant 0 : i32
      %dma_wait3A_136 = tpu.memref_slice %arg5[%dma_wait3A_134, %dma_wait3A_135] : memref<1024x128xf32, #tpu.memory_space<hbm>> -> memref<1024x128xf32, #tpu.memory_space<hbm>>
      tpu.wait_indirect_dma semaphore(%arg9 : memref<!tpu.dma_semaphore, #tpu.memory_space<semaphore_mem>>) src(%dma_wait3A_136 : memref<1024x128xf32, #tpu.memory_space<hbm>>) dst(%dma_wait3A_130 : memref<128x128xf32, #tpu.memory_space<vmem>>)
      %mul3A_137 = arith.constant 4 : i32
      %mul3A_138 = arith.muli %scan3A_36, %mul3A_137 : i32
      %add3A_139 = arith.constant 1 : i32
      %add3A_140 = arith.addi %mul3A_138, %add3A_139 : i32
      %mul3A_141 = arith.constant 128 : i32
      %mul3A_142 = arith.muli %add3A_140, %mul3A_141 : i32
      %add3A_143 = arith.addi %add3A_4, %mul3A_142 : i32
      %dma_start3A_144 = arith.constant 1 : i32
      %dma_start3A_145 = arith.constant 0 : i32
      %dma_start3A_146 = arith.constant 0 : i32
      %dma_start3A_147 = tpu.memref_slice %arg8[%dma_start3A_144, %dma_start3A_145, %dma_start3A_146] : memref<4x128x128xf32, #tpu.memory_space<vmem>> -> memref<1x128x128xf32, #tpu.memory_space<vmem>>
      %dma_start3A_148 = tpu.memref_squeeze %dma_start3A_147 : memref<1x128x128xf32, #tpu.memory_space<vmem>> -> memref<128x128xf32, #tpu.memory_space<vmem>>
      %dma_start3A_149 = arith.constant 0 : i32
      %dma_start3A_150 = tpu.memref_slice %arg6[%add3A_143, %dma_start3A_149] : memref<98304x128xf32, #tpu.memory_space<hbm>> -> memref<128x128xf32, #tpu.memory_space<hbm>>
      %dma_start3A_151 = arith.constant 0 : i32
      %dma_start3A_152 = tpu.memref_slice %arg6[%add3A_143, %dma_start3A_151] : memref<98304x128xf32, #tpu.memory_space<hbm>> -> memref<128x128xf32, #tpu.memory_space<hbm>>
      %dma_start3A_153 = arith.constant 0 : i32
      %dma_start3A_154 = arith.constant 0 : i32
      %dma_start3A_155 = tpu.memref_slice %arg8[%dma_start3A_144, %dma_start3A_153, %dma_start3A_154] : memref<4x128x128xf32, #tpu.memory_space<vmem>> -> memref<1x128x128xf32, #tpu.memory_space<vmem>>
      %dma_start3A_156 = tpu.memref_squeeze %dma_start3A_155 : memref<1x128x128xf32, #tpu.memory_space<vmem>> -> memref<128x128xf32, #tpu.memory_space<vmem>>
      tpu.enqueue_dma source(%dma_start3A_156 : memref<128x128xf32, #tpu.memory_space<vmem>>) target(%dma_start3A_152 : memref<128x128xf32, #tpu.memory_space<hbm>>) target_semaphore(%arg10 : memref<!tpu.dma_semaphore, #tpu.memory_space<semaphore_mem>>)
      %dma_wait3A_157 = arith.constant 2 : i32
      %dma_wait3A_158 = arith.constant 0 : i32
      %dma_wait3A_159 = arith.constant 0 : i32
      %dma_wait3A_160 = tpu.memref_slice %arg8[%dma_wait3A_157, %dma_wait3A_158, %dma_wait3A_159] : memref<4x128x128xf32, #tpu.memory_space<vmem>> -> memref<1x128x128xf32, #tpu.memory_space<vmem>>
      %dma_wait3A_161 = tpu.memref_squeeze %dma_wait3A_160 : memref<1x128x128xf32, #tpu.memory_space<vmem>> -> memref<128x128xf32, #tpu.memory_space<vmem>>
      %dma_wait3A_162 = arith.constant 0 : i32
      %dma_wait3A_163 = tpu.memref_slice %arg7[%add3A_69, %dma_wait3A_162] : memref<8x128xi32, #tpu.memory_space<vmem>> -> memref<1x128xi32, #tpu.memory_space<vmem>>
      %dma_wait3A_164 = tpu.memref_squeeze %dma_wait3A_163 : memref<1x128xi32, #tpu.memory_space<vmem>> -> memref<128xi32, #tpu.memory_space<vmem>>
      %dma_wait3A_165 = arith.constant 0 : i32
      %dma_wait3A_166 = arith.constant 0 : i32
      %dma_wait3A_167 = tpu.memref_slice %arg5[%dma_wait3A_165, %dma_wait3A_166] : memref<1024x128xf32, #tpu.memory_space<hbm>> -> memref<1024x128xf32, #tpu.memory_space<hbm>>
      tpu.wait_indirect_dma semaphore(%arg9 : memref<!tpu.dma_semaphore, #tpu.memory_space<semaphore_mem>>) src(%dma_wait3A_167 : memref<1024x128xf32, #tpu.memory_space<hbm>>) dst(%dma_wait3A_161 : memref<128x128xf32, #tpu.memory_space<vmem>>)
      %mul3A_168 = arith.constant 4 : i32
      %mul3A_169 = arith.muli %scan3A_36, %mul3A_168 : i32
      %add3A_170 = arith.constant 2 : i32
      %add3A_171 = arith.addi %mul3A_169, %add3A_170 : i32
      %mul3A_172 = arith.constant 128 : i32
      %mul3A_173 = arith.muli %add3A_171, %mul3A_172 : i32
      %add3A_174 = arith.addi %add3A_4, %mul3A_173 : i32
      %dma_start3A_175 = arith.constant 2 : i32
      %dma_start3A_176 = arith.constant 0 : i32
      %dma_start3A_177 = arith.constant 0 : i32
      %dma_start3A_178 = tpu.memref_slice %arg8[%dma_start3A_175, %dma_start3A_176, %dma_start3A_177] : memref<4x128x128xf32, #tpu.memory_space<vmem>> -> memref<1x128x128xf32, #tpu.memory_space<vmem>>
      %dma_start3A_179 = tpu.memref_squeeze %dma_start3A_178 : memref<1x128x128xf32, #tpu.memory_space<vmem>> -> memref<128x128xf32, #tpu.memory_space<vmem>>
      %dma_start3A_180 = arith.constant 0 : i32
      %dma_start3A_181 = tpu.memref_slice %arg6[%add3A_174, %dma_start3A_180] : memref<98304x128xf32, #tpu.memory_space<hbm>> -> memref<128x128xf32, #tpu.memory_space<hbm>>
      %dma_start3A_182 = arith.constant 0 : i32
      %dma_start3A_183 = tpu.memref_slice %arg6[%add3A_174, %dma_start3A_182] : memref<98304x128xf32, #tpu.memory_space<hbm>> -> memref<128x128xf32, #tpu.memory_space<hbm>>
      %dma_start3A_184 = arith.constant 0 : i32
      %dma_start3A_185 = arith.constant 0 : i32
      %dma_start3A_186 = tpu.memref_slice %arg8[%dma_start3A_175, %dma_start3A_184, %dma_start3A_185] : memref<4x128x128xf32, #tpu.memory_space<vmem>> -> memref<1x128x128xf32, #tpu.memory_space<vmem>>
      %dma_start3A_187 = tpu.memref_squeeze %dma_start3A_186 : memref<1x128x128xf32, #tpu.memory_space<vmem>> -> memref<128x128xf32, #tpu.memory_space<vmem>>
      tpu.enqueue_dma source(%dma_start3A_187 : memref<128x128xf32, #tpu.memory_space<vmem>>) target(%dma_start3A_183 : memref<128x128xf32, #tpu.memory_space<hbm>>) target_semaphore(%arg10 : memref<!tpu.dma_semaphore, #tpu.memory_space<semaphore_mem>>)
      %dma_wait3A_188 = arith.constant 3 : i32
      %dma_wait3A_189 = arith.constant 0 : i32
      %dma_wait3A_190 = arith.constant 0 : i32
      %dma_wait3A_191 = tpu.memref_slice %arg8[%dma_wait3A_188, %dma_wait3A_189, %dma_wait3A_190] : memref<4x128x128xf32, #tpu.memory_space<vmem>> -> memref<1x128x128xf32, #tpu.memory_space<vmem>>
      %dma_wait3A_192 = tpu.memref_squeeze %dma_wait3A_191 : memref<1x128x128xf32, #tpu.memory_space<vmem>> -> memref<128x128xf32, #tpu.memory_space<vmem>>
      %dma_wait3A_193 = arith.constant 0 : i32
      %dma_wait3A_194 = tpu.memref_slice %arg7[%add3A_84, %dma_wait3A_193] : memref<8x128xi32, #tpu.memory_space<vmem>> -> memref<1x128xi32, #tpu.memory_space<vmem>>
      %dma_wait3A_195 = tpu.memref_squeeze %dma_wait3A_194 : memref<1x128xi32, #tpu.memory_space<vmem>> -> memref<128xi32, #tpu.memory_space<vmem>>
      %dma_wait3A_196 = arith.constant 0 : i32
      %dma_wait3A_197 = arith.constant 0 : i32
      %dma_wait3A_198 = tpu.memref_slice %arg5[%dma_wait3A_196, %dma_wait3A_197] : memref<1024x128xf32, #tpu.memory_space<hbm>> -> memref<1024x128xf32, #tpu.memory_space<hbm>>
      tpu.wait_indirect_dma semaphore(%arg9 : memref<!tpu.dma_semaphore, #tpu.memory_space<semaphore_mem>>) src(%dma_wait3A_198 : memref<1024x128xf32, #tpu.memory_space<hbm>>) dst(%dma_wait3A_192 : memref<128x128xf32, #tpu.memory_space<vmem>>)
      %mul3A_199 = arith.constant 4 : i32
      %mul3A_200 = arith.muli %scan3A_36, %mul3A_199 : i32
      %add3A_201 = arith.constant 3 : i32
      %add3A_202 = arith.addi %mul3A_200, %add3A_201 : i32
      %mul3A_203 = arith.constant 128 : i32
      %mul3A_204 = arith.muli %add3A_202, %mul3A_203 : i32
      %add3A_205 = arith.addi %add3A_4, %mul3A_204 : i32
      %dma_start3A_206 = arith.constant 3 : i32
      %dma_start3A_207 = arith.constant 0 : i32
      %dma_start3A_208 = arith.constant 0 : i32
      %dma_start3A_209 = tpu.memref_slice %arg8[%dma_start3A_206, %dma_start3A_207, %dma_start3A_208] : memref<4x128x128xf32, #tpu.memory_space<vmem>> -> memref<1x128x128xf32, #tpu.memory_space<vmem>>
      %dma_start3A_210 = tpu.memref_squeeze %dma_start3A_209 : memref<1x128x128xf32, #tpu.memory_space<vmem>> -> memref<128x128xf32, #tpu.memory_space<vmem>>
      %dma_start3A_211 = arith.constant 0 : i32
      %dma_start3A_212 = tpu.memref_slice %arg6[%add3A_205, %dma_start3A_211] : memref<98304x128xf32, #tpu.memory_space<hbm>> -> memref<128x128xf32, #tpu.memory_space<hbm>>
      %dma_start3A_213 = arith.constant 0 : i32
      %dma_start3A_214 = tpu.memref_slice %arg6[%add3A_205, %dma_start3A_213] : memref<98304x128xf32, #tpu.memory_space<hbm>> -> memref<128x128xf32, #tpu.memory_space<hbm>>
      %dma_start3A_215 = arith.constant 0 : i32
      %dma_start3A_216 = arith.constant 0 : i32
      %dma_start3A_217 = tpu.memref_slice %arg8[%dma_start3A_206, %dma_start3A_215, %dma_start3A_216] : memref<4x128x128xf32, #tpu.memory_space<vmem>> -> memref<1x128x128xf32, #tpu.memory_space<vmem>>
      %dma_start3A_218 = tpu.memref_squeeze %dma_start3A_217 : memref<1x128x128xf32, #tpu.memory_space<vmem>> -> memref<128x128xf32, #tpu.memory_space<vmem>>
      tpu.enqueue_dma source(%dma_start3A_218 : memref<128x128xf32, #tpu.memory_space<vmem>>) target(%dma_start3A_214 : memref<128x128xf32, #tpu.memory_space<hbm>>) target_semaphore(%arg10 : memref<!tpu.dma_semaphore, #tpu.memory_space<semaphore_mem>>)
      %dma_wait3A_219 = arith.constant 0 : i32
      %dma_wait3A_220 = arith.constant 0 : i32
      %dma_wait3A_221 = arith.constant 0 : i32
      %dma_wait3A_222 = tpu.memref_slice %arg8[%dma_wait3A_219, %dma_wait3A_220, %dma_wait3A_221] : memref<4x128x128xf32, #tpu.memory_space<vmem>> -> memref<1x128x128xf32, #tpu.memory_space<vmem>>
      %dma_wait3A_223 = tpu.memref_squeeze %dma_wait3A_222 : memref<1x128x128xf32, #tpu.memory_space<vmem>> -> memref<128x128xf32, #tpu.memory_space<vmem>>
      %dma_wait3A_224 = arith.constant 0 : i32
      %dma_wait3A_225 = tpu.memref_slice %arg6[%add3A_112, %dma_wait3A_224] : memref<98304x128xf32, #tpu.memory_space<hbm>> -> memref<128x128xf32, #tpu.memory_space<hbm>>
      %dma_wait3A_226 = arith.constant 0 : i32
      %dma_wait3A_227 = tpu.memref_slice %arg6[%add3A_112, %dma_wait3A_226] : memref<98304x128xf32, #tpu.memory_space<hbm>> -> memref<128x128xf32, #tpu.memory_space<hbm>>
      %dma_wait3A_228 = arith.constant 0 : i32
      %dma_wait3A_229 = arith.constant 0 : i32
      %dma_wait3A_230 = tpu.memref_slice %arg8[%dma_wait3A_219, %dma_wait3A_228, %dma_wait3A_229] : memref<4x128x128xf32, #tpu.memory_space<vmem>> -> memref<1x128x128xf32, #tpu.memory_space<vmem>>
      %dma_wait3A_231 = tpu.memref_squeeze %dma_wait3A_230 : memref<1x128x128xf32, #tpu.memory_space<vmem>> -> memref<128x128xf32, #tpu.memory_space<vmem>>
      tpu.wait_dma2 semaphore(%arg10 : memref<!tpu.dma_semaphore, #tpu.memory_space<semaphore_mem>>) src(%dma_wait3A_231 : memref<128x128xf32, #tpu.memory_space<vmem>>) dst(%dma_wait3A_227 : memref<128x128xf32, #tpu.memory_space<hbm>>)
      %dma_wait3A_232 = arith.constant 1 : i32
      %dma_wait3A_233 = arith.constant 0 : i32
      %dma_wait3A_234 = arith.constant 0 : i32
      %dma_wait3A_235 = tpu.memref_slice %arg8[%dma_wait3A_232, %dma_wait3A_233, %dma_wait3A_234] : memref<4x128x128xf32, #tpu.memory_space<vmem>> -> memref<1x128x128xf32, #tpu.memory_space<vmem>>
      %dma_wait3A_236 = tpu.memref_squeeze %dma_wait3A_235 : memref<1x128x128xf32, #tpu.memory_space<vmem>> -> memref<128x128xf32, #tpu.memory_space<vmem>>
      %dma_wait3A_237 = arith.constant 0 : i32
      %dma_wait3A_238 = tpu.memref_slice %arg6[%add3A_143, %dma_wait3A_237] : memref<98304x128xf32, #tpu.memory_space<hbm>> -> memref<128x128xf32, #tpu.memory_space<hbm>>
      %dma_wait3A_239 = arith.constant 0 : i32
      %dma_wait3A_240 = tpu.memref_slice %arg6[%add3A_143, %dma_wait3A_239] : memref<98304x128xf32, #tpu.memory_space<hbm>> -> memref<128x128xf32, #tpu.memory_space<hbm>>
      %dma_wait3A_241 = arith.constant 0 : i32
      %dma_wait3A_242 = arith.constant 0 : i32
      %dma_wait3A_243 = tpu.memref_slice %arg8[%dma_wait3A_232, %dma_wait3A_241, %dma_wait3A_242] : memref<4x128x128xf32, #tpu.memory_space<vmem>> -> memref<1x128x128xf32, #tpu.memory_space<vmem>>
      %dma_wait3A_244 = tpu.memref_squeeze %dma_wait3A_243 : memref<1x128x128xf32, #tpu.memory_space<vmem>> -> memref<128x128xf32, #tpu.memory_space<vmem>>
      tpu.wait_dma2 semaphore(%arg10 : memref<!tpu.dma_semaphore, #tpu.memory_space<semaphore_mem>>) src(%dma_wait3A_244 : memref<128x128xf32, #tpu.memory_space<vmem>>) dst(%dma_wait3A_240 : memref<128x128xf32, #tpu.memory_space<hbm>>)
      %dma_wait3A_245 = arith.constant 2 : i32
      %dma_wait3A_246 = arith.constant 0 : i32
      %dma_wait3A_247 = arith.constant 0 : i32
      %dma_wait3A_248 = tpu.memref_slice %arg8[%dma_wait3A_245, %dma_wait3A_246, %dma_wait3A_247] : memref<4x128x128xf32, #tpu.memory_space<vmem>> -> memref<1x128x128xf32, #tpu.memory_space<vmem>>
      %dma_wait3A_249 = tpu.memref_squeeze %dma_wait3A_248 : memref<1x128x128xf32, #tpu.memory_space<vmem>> -> memref<128x128xf32, #tpu.memory_space<vmem>>
      %dma_wait3A_250 = arith.constant 0 : i32
      %dma_wait3A_251 = tpu.memref_slice %arg6[%add3A_174, %dma_wait3A_250] : memref<98304x128xf32, #tpu.memory_space<hbm>> -> memref<128x128xf32, #tpu.memory_space<hbm>>
      %dma_wait3A_252 = arith.constant 0 : i32
      %dma_wait3A_253 = tpu.memref_slice %arg6[%add3A_174, %dma_wait3A_252] : memref<98304x128xf32, #tpu.memory_space<hbm>> -> memref<128x128xf32, #tpu.memory_space<hbm>>
      %dma_wait3A_254 = arith.constant 0 : i32
      %dma_wait3A_255 = arith.constant 0 : i32
      %dma_wait3A_256 = tpu.memref_slice %arg8[%dma_wait3A_245, %dma_wait3A_254, %dma_wait3A_255] : memref<4x128x128xf32, #tpu.memory_space<vmem>> -> memref<1x128x128xf32, #tpu.memory_space<vmem>>
      %dma_wait3A_257 = tpu.memref_squeeze %dma_wait3A_256 : memref<1x128x128xf32, #tpu.memory_space<vmem>> -> memref<128x128xf32, #tpu.memory_space<vmem>>
      tpu.wait_dma2 semaphore(%arg10 : memref<!tpu.dma_semaphore, #tpu.memory_space<semaphore_mem>>) src(%dma_wait3A_257 : memref<128x128xf32, #tpu.memory_space<vmem>>) dst(%dma_wait3A_253 : memref<128x128xf32, #tpu.memory_space<hbm>>)
      %dma_wait3A_258 = arith.constant 3 : i32
      %dma_wait3A_259 = arith.constant 0 : i32
      %dma_wait3A_260 = arith.constant 0 : i32
      %dma_wait3A_261 = tpu.memref_slice %arg8[%dma_wait3A_258, %dma_wait3A_259, %dma_wait3A_260] : memref<4x128x128xf32, #tpu.memory_space<vmem>> -> memref<1x128x128xf32, #tpu.memory_space<vmem>>
      %dma_wait3A_262 = tpu.memref_squeeze %dma_wait3A_261 : memref<1x128x128xf32, #tpu.memory_space<vmem>> -> memref<128x128xf32, #tpu.memory_space<vmem>>
      %dma_wait3A_263 = arith.constant 0 : i32
      %dma_wait3A_264 = tpu.memref_slice %arg6[%add3A_205, %dma_wait3A_263] : memref<98304x128xf32, #tpu.memory_space<hbm>> -> memref<128x128xf32, #tpu.memory_space<hbm>>
      %dma_wait3A_265 = arith.constant 0 : i32
      %dma_wait3A_266 = tpu.memref_slice %arg6[%add3A_205, %dma_wait3A_265] : memref<98304x128xf32, #tpu.memory_space<hbm>> -> memref<128x128xf32, #tpu.memory_space<hbm>>
      %dma_wait3A_267 = arith.constant 0 : i32
      %dma_wait3A_268 = arith.constant 0 : i32
      %dma_wait3A_269 = tpu.memref_slice %arg8[%dma_wait3A_258, %dma_wait3A_267, %dma_wait3A_268] : memref<4x128x128xf32, #tpu.memory_space<vmem>> -> memref<1x128x128xf32, #tpu.memory_space<vmem>>
      %dma_wait3A_270 = tpu.memref_squeeze %dma_wait3A_269 : memref<1x128x128xf32, #tpu.memory_space<vmem>> -> memref<128x128xf32, #tpu.memory_space<vmem>>
      tpu.wait_dma2 semaphore(%arg10 : memref<!tpu.dma_semaphore, #tpu.memory_space<semaphore_mem>>) src(%dma_wait3A_270 : memref<128x128xf32, #tpu.memory_space<vmem>>) dst(%dma_wait3A_266 : memref<128x128xf32, #tpu.memory_space<hbm>>)
    }
    %scan3A_11 = arith.constant 2 : i32
    %mul3A_12 = arith.constant 1024 : i32
    %mul3A_13 = arith.muli %add3A, %mul3A_12 : i32
    %add3A_14 = arith.constant 32768 : i32
    %add3A_15 = arith.addi %add3A_14, %mul3A_13 : i32
    %mul3A_16 = arith.constant 8 : i32
    %mul3A_17 = arith.muli %add3A, %mul3A_16 : i32
    "tpu.region"() ({
      %run_scoped3A = tpu.sem_alloc : memref<!tpu.dma_semaphore, #tpu.memory_space<semaphore_mem>>
      %dma_start3A = arith.constant 0 : i32
      %dma_start3A_36 = tpu.memref_slice %arg3[%mul3A_17, %dma_start3A] : memref<256x128xi32, #tpu.memory_space<hbm>> -> memref<8x128xi32, #tpu.memory_space<hbm>>
      %dma_start3A_37 = arith.constant 0 : i32
      %dma_start3A_38 = tpu.memref_slice %arg3[%mul3A_17, %dma_start3A_37] : memref<256x128xi32, #tpu.memory_space<hbm>> -> memref<8x128xi32, #tpu.memory_space<hbm>>
      tpu.enqueue_dma source(%dma_start3A_38 : memref<8x128xi32, #tpu.memory_space<hbm>>) target(%arg7 : memref<8x128xi32, #tpu.memory_space<vmem>>) target_semaphore(%run_scoped3A : memref<!tpu.dma_semaphore, #tpu.memory_space<semaphore_mem>>)
      %dma_wait3A = arith.constant 0 : i32
      %dma_wait3A_39 = tpu.memref_slice %arg3[%mul3A_17, %dma_wait3A] : memref<256x128xi32, #tpu.memory_space<hbm>> -> memref<8x128xi32, #tpu.memory_space<hbm>>
      %dma_wait3A_40 = arith.constant 0 : i32
      %dma_wait3A_41 = tpu.memref_slice %arg3[%mul3A_17, %dma_wait3A_40] : memref<256x128xi32, #tpu.memory_space<hbm>> -> memref<8x128xi32, #tpu.memory_space<hbm>>
      tpu.wait_dma2 semaphore(%run_scoped3A : memref<!tpu.dma_semaphore, #tpu.memory_space<semaphore_mem>>) src(%dma_wait3A_41 : memref<8x128xi32, #tpu.memory_space<hbm>>) dst(%arg7 : memref<8x128xi32, #tpu.memory_space<vmem>>)
      tpu.yield
    }) : () -> ()
    %scan3A_18 = arith.constant 0 : i32
    %scan3A_19 = arith.constant 0 : i32
    %scan3A_20 = arith.constant 2 : i32
    %scan3A_21 = arith.addi %scan3A_19, %scan3A_20 : i32
    %scan3A_22 = arith.constant 1 : i32
    scf.for %scan3A_36 = %scan3A_19 to %scan3A_21 step %scan3A_22  : i32 {
      %mul3A_37 = arith.constant 4 : i32
      %mul3A_38 = arith.muli %scan3A_36, %mul3A_37 : i32
      %add3A_39 = arith.constant 0 : i32
      %add3A_40 = arith.addi %mul3A_38, %add3A_39 : i32
      %dma_start3A = arith.constant 0 : i32
      %dma_start3A_41 = arith.constant 0 : i32
      %dma_start3A_42 = arith.constant 0 : i32
      %dma_start3A_43 = tpu.memref_slice %arg8[%dma_start3A, %dma_start3A_41, %dma_start3A_42] : memref<4x128x128xf32, #tpu.memory_space<vmem>> -> memref<1x128x128xf32, #tpu.memory_space<vmem>>
      %dma_start3A_44 = tpu.memref_squeeze %dma_start3A_43 : memref<1x128x128xf32, #tpu.memory_space<vmem>> -> memref<128x128xf32, #tpu.memory_space<vmem>>
      %dma_start3A_45 = arith.constant 0 : i32
      %dma_start3A_46 = tpu.memref_slice %arg7[%add3A_40, %dma_start3A_45] : memref<8x128xi32, #tpu.memory_space<vmem>> -> memref<1x128xi32, #tpu.memory_space<vmem>>
      %dma_start3A_47 = tpu.memref_squeeze %dma_start3A_46 : memref<1x128xi32, #tpu.memory_space<vmem>> -> memref<128xi32, #tpu.memory_space<vmem>>
      %dma_start3A_48 = arith.constant 0 : i32
      %dma_start3A_49 = arith.constant 0 : i32
      %dma_start3A_50 = tpu.memref_slice %arg5[%dma_start3A_48, %dma_start3A_49] : memref<1024x128xf32, #tpu.memory_space<hbm>> -> memref<1024x128xf32, #tpu.memory_space<hbm>>
      tpu.enqueue_indirect_dma source(%dma_start3A_50 : memref<1024x128xf32, #tpu.memory_space<hbm>>) target(%dma_start3A_44 : memref<128x128xf32, #tpu.memory_space<vmem>>) offsets(%dma_start3A_47 : memref<128xi32, #tpu.memory_space<vmem>>) semaphore(%arg9 : memref<!tpu.dma_semaphore, #tpu.memory_space<semaphore_mem>>)
      %mul3A_51 = arith.constant 4 : i32
      %mul3A_52 = arith.muli %scan3A_36, %mul3A_51 : i32
      %add3A_53 = arith.constant 1 : i32
      %add3A_54 = arith.addi %mul3A_52, %add3A_53 : i32
      %dma_start3A_55 = arith.constant 1 : i32
      %dma_start3A_56 = arith.constant 0 : i32
      %dma_start3A_57 = arith.constant 0 : i32
      %dma_start3A_58 = tpu.memref_slice %arg8[%dma_start3A_55, %dma_start3A_56, %dma_start3A_57] : memref<4x128x128xf32, #tpu.memory_space<vmem>> -> memref<1x128x128xf32, #tpu.memory_space<vmem>>
      %dma_start3A_59 = tpu.memref_squeeze %dma_start3A_58 : memref<1x128x128xf32, #tpu.memory_space<vmem>> -> memref<128x128xf32, #tpu.memory_space<vmem>>
      %dma_start3A_60 = arith.constant 0 : i32
      %dma_start3A_61 = tpu.memref_slice %arg7[%add3A_54, %dma_start3A_60] : memref<8x128xi32, #tpu.memory_space<vmem>> -> memref<1x128xi32, #tpu.memory_space<vmem>>
      %dma_start3A_62 = tpu.memref_squeeze %dma_start3A_61 : memref<1x128xi32, #tpu.memory_space<vmem>> -> memref<128xi32, #tpu.memory_space<vmem>>
      %dma_start3A_63 = arith.constant 0 : i32
      %dma_start3A_64 = arith.constant 0 : i32
      %dma_start3A_65 = tpu.memref_slice %arg5[%dma_start3A_63, %dma_start3A_64] : memref<1024x128xf32, #tpu.memory_space<hbm>> -> memref<1024x128xf32, #tpu.memory_space<hbm>>
      tpu.enqueue_indirect_dma source(%dma_start3A_65 : memref<1024x128xf32, #tpu.memory_space<hbm>>) target(%dma_start3A_59 : memref<128x128xf32, #tpu.memory_space<vmem>>) offsets(%dma_start3A_62 : memref<128xi32, #tpu.memory_space<vmem>>) semaphore(%arg9 : memref<!tpu.dma_semaphore, #tpu.memory_space<semaphore_mem>>)
      %mul3A_66 = arith.constant 4 : i32
      %mul3A_67 = arith.muli %scan3A_36, %mul3A_66 : i32
      %add3A_68 = arith.constant 2 : i32
      %add3A_69 = arith.addi %mul3A_67, %add3A_68 : i32
      %dma_start3A_70 = arith.constant 2 : i32
      %dma_start3A_71 = arith.constant 0 : i32
      %dma_start3A_72 = arith.constant 0 : i32
      %dma_start3A_73 = tpu.memref_slice %arg8[%dma_start3A_70, %dma_start3A_71, %dma_start3A_72] : memref<4x128x128xf32, #tpu.memory_space<vmem>> -> memref<1x128x128xf32, #tpu.memory_space<vmem>>
      %dma_start3A_74 = tpu.memref_squeeze %dma_start3A_73 : memref<1x128x128xf32, #tpu.memory_space<vmem>> -> memref<128x128xf32, #tpu.memory_space<vmem>>
      %dma_start3A_75 = arith.constant 0 : i32
      %dma_start3A_76 = tpu.memref_slice %arg7[%add3A_69, %dma_start3A_75] : memref<8x128xi32, #tpu.memory_space<vmem>> -> memref<1x128xi32, #tpu.memory_space<vmem>>
      %dma_start3A_77 = tpu.memref_squeeze %dma_start3A_76 : memref<1x128xi32, #tpu.memory_space<vmem>> -> memref<128xi32, #tpu.memory_space<vmem>>
      %dma_start3A_78 = arith.constant 0 : i32
      %dma_start3A_79 = arith.constant 0 : i32
      %dma_start3A_80 = tpu.memref_slice %arg5[%dma_start3A_78, %dma_start3A_79] : memref<1024x128xf32, #tpu.memory_space<hbm>> -> memref<1024x128xf32, #tpu.memory_space<hbm>>
      tpu.enqueue_indirect_dma source(%dma_start3A_80 : memref<1024x128xf32, #tpu.memory_space<hbm>>) target(%dma_start3A_74 : memref<128x128xf32, #tpu.memory_space<vmem>>) offsets(%dma_start3A_77 : memref<128xi32, #tpu.memory_space<vmem>>) semaphore(%arg9 : memref<!tpu.dma_semaphore, #tpu.memory_space<semaphore_mem>>)
      %mul3A_81 = arith.constant 4 : i32
      %mul3A_82 = arith.muli %scan3A_36, %mul3A_81 : i32
      %add3A_83 = arith.constant 3 : i32
      %add3A_84 = arith.addi %mul3A_82, %add3A_83 : i32
      %dma_start3A_85 = arith.constant 3 : i32
      %dma_start3A_86 = arith.constant 0 : i32
      %dma_start3A_87 = arith.constant 0 : i32
      %dma_start3A_88 = tpu.memref_slice %arg8[%dma_start3A_85, %dma_start3A_86, %dma_start3A_87] : memref<4x128x128xf32, #tpu.memory_space<vmem>> -> memref<1x128x128xf32, #tpu.memory_space<vmem>>
      %dma_start3A_89 = tpu.memref_squeeze %dma_start3A_88 : memref<1x128x128xf32, #tpu.memory_space<vmem>> -> memref<128x128xf32, #tpu.memory_space<vmem>>
      %dma_start3A_90 = arith.constant 0 : i32
      %dma_start3A_91 = tpu.memref_slice %arg7[%add3A_84, %dma_start3A_90] : memref<8x128xi32, #tpu.memory_space<vmem>> -> memref<1x128xi32, #tpu.memory_space<vmem>>
      %dma_start3A_92 = tpu.memref_squeeze %dma_start3A_91 : memref<1x128xi32, #tpu.memory_space<vmem>> -> memref<128xi32, #tpu.memory_space<vmem>>
      %dma_start3A_93 = arith.constant 0 : i32
      %dma_start3A_94 = arith.constant 0 : i32
      %dma_start3A_95 = tpu.memref_slice %arg5[%dma_start3A_93, %dma_start3A_94] : memref<1024x128xf32, #tpu.memory_space<hbm>> -> memref<1024x128xf32, #tpu.memory_space<hbm>>
      tpu.enqueue_indirect_dma source(%dma_start3A_95 : memref<1024x128xf32, #tpu.memory_space<hbm>>) target(%dma_start3A_89 : memref<128x128xf32, #tpu.memory_space<vmem>>) offsets(%dma_start3A_92 : memref<128xi32, #tpu.memory_space<vmem>>) semaphore(%arg9 : memref<!tpu.dma_semaphore, #tpu.memory_space<semaphore_mem>>)
      %dma_wait3A = arith.constant 0 : i32
      %dma_wait3A_96 = arith.constant 0 : i32
      %dma_wait3A_97 = arith.constant 0 : i32
      %dma_wait3A_98 = tpu.memref_slice %arg8[%dma_wait3A, %dma_wait3A_96, %dma_wait3A_97] : memref<4x128x128xf32, #tpu.memory_space<vmem>> -> memref<1x128x128xf32, #tpu.memory_space<vmem>>
      %dma_wait3A_99 = tpu.memref_squeeze %dma_wait3A_98 : memref<1x128x128xf32, #tpu.memory_space<vmem>> -> memref<128x128xf32, #tpu.memory_space<vmem>>
      %dma_wait3A_100 = arith.constant 0 : i32
      %dma_wait3A_101 = tpu.memref_slice %arg7[%add3A_40, %dma_wait3A_100] : memref<8x128xi32, #tpu.memory_space<vmem>> -> memref<1x128xi32, #tpu.memory_space<vmem>>
      %dma_wait3A_102 = tpu.memref_squeeze %dma_wait3A_101 : memref<1x128xi32, #tpu.memory_space<vmem>> -> memref<128xi32, #tpu.memory_space<vmem>>
      %dma_wait3A_103 = arith.constant 0 : i32
      %dma_wait3A_104 = arith.constant 0 : i32
      %dma_wait3A_105 = tpu.memref_slice %arg5[%dma_wait3A_103, %dma_wait3A_104] : memref<1024x128xf32, #tpu.memory_space<hbm>> -> memref<1024x128xf32, #tpu.memory_space<hbm>>
      tpu.wait_indirect_dma semaphore(%arg9 : memref<!tpu.dma_semaphore, #tpu.memory_space<semaphore_mem>>) src(%dma_wait3A_105 : memref<1024x128xf32, #tpu.memory_space<hbm>>) dst(%dma_wait3A_99 : memref<128x128xf32, #tpu.memory_space<vmem>>)
      %mul3A_106 = arith.constant 4 : i32
      %mul3A_107 = arith.muli %scan3A_36, %mul3A_106 : i32
      %add3A_108 = arith.constant 0 : i32
      %add3A_109 = arith.addi %mul3A_107, %add3A_108 : i32
      %mul3A_110 = arith.constant 128 : i32
      %mul3A_111 = arith.muli %add3A_109, %mul3A_110 : i32
      %add3A_112 = arith.addi %add3A_15, %mul3A_111 : i32
      %dma_start3A_113 = arith.constant 0 : i32
      %dma_start3A_114 = arith.constant 0 : i32
      %dma_start3A_115 = arith.constant 0 : i32
      %dma_start3A_116 = tpu.memref_slice %arg8[%dma_start3A_113, %dma_start3A_114, %dma_start3A_115] : memref<4x128x128xf32, #tpu.memory_space<vmem>> -> memref<1x128x128xf32, #tpu.memory_space<vmem>>
      %dma_start3A_117 = tpu.memref_squeeze %dma_start3A_116 : memref<1x128x128xf32, #tpu.memory_space<vmem>> -> memref<128x128xf32, #tpu.memory_space<vmem>>
      %dma_start3A_118 = arith.constant 0 : i32
      %dma_start3A_119 = tpu.memref_slice %arg6[%add3A_112, %dma_start3A_118] : memref<98304x128xf32, #tpu.memory_space<hbm>> -> memref<128x128xf32, #tpu.memory_space<hbm>>
      %dma_start3A_120 = arith.constant 0 : i32
      %dma_start3A_121 = tpu.memref_slice %arg6[%add3A_112, %dma_start3A_120] : memref<98304x128xf32, #tpu.memory_space<hbm>> -> memref<128x128xf32, #tpu.memory_space<hbm>>
      %dma_start3A_122 = arith.constant 0 : i32
      %dma_start3A_123 = arith.constant 0 : i32
      %dma_start3A_124 = tpu.memref_slice %arg8[%dma_start3A_113, %dma_start3A_122, %dma_start3A_123] : memref<4x128x128xf32, #tpu.memory_space<vmem>> -> memref<1x128x128xf32, #tpu.memory_space<vmem>>
      %dma_start3A_125 = tpu.memref_squeeze %dma_start3A_124 : memref<1x128x128xf32, #tpu.memory_space<vmem>> -> memref<128x128xf32, #tpu.memory_space<vmem>>
      tpu.enqueue_dma source(%dma_start3A_125 : memref<128x128xf32, #tpu.memory_space<vmem>>) target(%dma_start3A_121 : memref<128x128xf32, #tpu.memory_space<hbm>>) target_semaphore(%arg10 : memref<!tpu.dma_semaphore, #tpu.memory_space<semaphore_mem>>)
      %dma_wait3A_126 = arith.constant 1 : i32
      %dma_wait3A_127 = arith.constant 0 : i32
      %dma_wait3A_128 = arith.constant 0 : i32
      %dma_wait3A_129 = tpu.memref_slice %arg8[%dma_wait3A_126, %dma_wait3A_127, %dma_wait3A_128] : memref<4x128x128xf32, #tpu.memory_space<vmem>> -> memref<1x128x128xf32, #tpu.memory_space<vmem>>
      %dma_wait3A_130 = tpu.memref_squeeze %dma_wait3A_129 : memref<1x128x128xf32, #tpu.memory_space<vmem>> -> memref<128x128xf32, #tpu.memory_space<vmem>>
      %dma_wait3A_131 = arith.constant 0 : i32
      %dma_wait3A_132 = tpu.memref_slice %arg7[%add3A_54, %dma_wait3A_131] : memref<8x128xi32, #tpu.memory_space<vmem>> -> memref<1x128xi32, #tpu.memory_space<vmem>>
      %dma_wait3A_133 = tpu.memref_squeeze %dma_wait3A_132 : memref<1x128xi32, #tpu.memory_space<vmem>> -> memref<128xi32, #tpu.memory_space<vmem>>
      %dma_wait3A_134 = arith.constant 0 : i32
      %dma_wait3A_135 = arith.constant 0 : i32
      %dma_wait3A_136 = tpu.memref_slice %arg5[%dma_wait3A_134, %dma_wait3A_135] : memref<1024x128xf32, #tpu.memory_space<hbm>> -> memref<1024x128xf32, #tpu.memory_space<hbm>>
      tpu.wait_indirect_dma semaphore(%arg9 : memref<!tpu.dma_semaphore, #tpu.memory_space<semaphore_mem>>) src(%dma_wait3A_136 : memref<1024x128xf32, #tpu.memory_space<hbm>>) dst(%dma_wait3A_130 : memref<128x128xf32, #tpu.memory_space<vmem>>)
      %mul3A_137 = arith.constant 4 : i32
      %mul3A_138 = arith.muli %scan3A_36, %mul3A_137 : i32
      %add3A_139 = arith.constant 1 : i32
      %add3A_140 = arith.addi %mul3A_138, %add3A_139 : i32
      %mul3A_141 = arith.constant 128 : i32
      %mul3A_142 = arith.muli %add3A_140, %mul3A_141 : i32
      %add3A_143 = arith.addi %add3A_15, %mul3A_142 : i32
      %dma_start3A_144 = arith.constant 1 : i32
      %dma_start3A_145 = arith.constant 0 : i32
      %dma_start3A_146 = arith.constant 0 : i32
      %dma_start3A_147 = tpu.memref_slice %arg8[%dma_start3A_144, %dma_start3A_145, %dma_start3A_146] : memref<4x128x128xf32, #tpu.memory_space<vmem>> -> memref<1x128x128xf32, #tpu.memory_space<vmem>>
      %dma_start3A_148 = tpu.memref_squeeze %dma_start3A_147 : memref<1x128x128xf32, #tpu.memory_space<vmem>> -> memref<128x128xf32, #tpu.memory_space<vmem>>
      %dma_start3A_149 = arith.constant 0 : i32
      %dma_start3A_150 = tpu.memref_slice %arg6[%add3A_143, %dma_start3A_149] : memref<98304x128xf32, #tpu.memory_space<hbm>> -> memref<128x128xf32, #tpu.memory_space<hbm>>
      %dma_start3A_151 = arith.constant 0 : i32
      %dma_start3A_152 = tpu.memref_slice %arg6[%add3A_143, %dma_start3A_151] : memref<98304x128xf32, #tpu.memory_space<hbm>> -> memref<128x128xf32, #tpu.memory_space<hbm>>
      %dma_start3A_153 = arith.constant 0 : i32
      %dma_start3A_154 = arith.constant 0 : i32
      %dma_start3A_155 = tpu.memref_slice %arg8[%dma_start3A_144, %dma_start3A_153, %dma_start3A_154] : memref<4x128x128xf32, #tpu.memory_space<vmem>> -> memref<1x128x128xf32, #tpu.memory_space<vmem>>
      %dma_start3A_156 = tpu.memref_squeeze %dma_start3A_155 : memref<1x128x128xf32, #tpu.memory_space<vmem>> -> memref<128x128xf32, #tpu.memory_space<vmem>>
      tpu.enqueue_dma source(%dma_start3A_156 : memref<128x128xf32, #tpu.memory_space<vmem>>) target(%dma_start3A_152 : memref<128x128xf32, #tpu.memory_space<hbm>>) target_semaphore(%arg10 : memref<!tpu.dma_semaphore, #tpu.memory_space<semaphore_mem>>)
      %dma_wait3A_157 = arith.constant 2 : i32
      %dma_wait3A_158 = arith.constant 0 : i32
      %dma_wait3A_159 = arith.constant 0 : i32
      %dma_wait3A_160 = tpu.memref_slice %arg8[%dma_wait3A_157, %dma_wait3A_158, %dma_wait3A_159] : memref<4x128x128xf32, #tpu.memory_space<vmem>> -> memref<1x128x128xf32, #tpu.memory_space<vmem>>
      %dma_wait3A_161 = tpu.memref_squeeze %dma_wait3A_160 : memref<1x128x128xf32, #tpu.memory_space<vmem>> -> memref<128x128xf32, #tpu.memory_space<vmem>>
      %dma_wait3A_162 = arith.constant 0 : i32
      %dma_wait3A_163 = tpu.memref_slice %arg7[%add3A_69, %dma_wait3A_162] : memref<8x128xi32, #tpu.memory_space<vmem>> -> memref<1x128xi32, #tpu.memory_space<vmem>>
      %dma_wait3A_164 = tpu.memref_squeeze %dma_wait3A_163 : memref<1x128xi32, #tpu.memory_space<vmem>> -> memref<128xi32, #tpu.memory_space<vmem>>
      %dma_wait3A_165 = arith.constant 0 : i32
      %dma_wait3A_166 = arith.constant 0 : i32
      %dma_wait3A_167 = tpu.memref_slice %arg5[%dma_wait3A_165, %dma_wait3A_166] : memref<1024x128xf32, #tpu.memory_space<hbm>> -> memref<1024x128xf32, #tpu.memory_space<hbm>>
      tpu.wait_indirect_dma semaphore(%arg9 : memref<!tpu.dma_semaphore, #tpu.memory_space<semaphore_mem>>) src(%dma_wait3A_167 : memref<1024x128xf32, #tpu.memory_space<hbm>>) dst(%dma_wait3A_161 : memref<128x128xf32, #tpu.memory_space<vmem>>)
      %mul3A_168 = arith.constant 4 : i32
      %mul3A_169 = arith.muli %scan3A_36, %mul3A_168 : i32
      %add3A_170 = arith.constant 2 : i32
      %add3A_171 = arith.addi %mul3A_169, %add3A_170 : i32
      %mul3A_172 = arith.constant 128 : i32
      %mul3A_173 = arith.muli %add3A_171, %mul3A_172 : i32
      %add3A_174 = arith.addi %add3A_15, %mul3A_173 : i32
      %dma_start3A_175 = arith.constant 2 : i32
      %dma_start3A_176 = arith.constant 0 : i32
      %dma_start3A_177 = arith.constant 0 : i32
      %dma_start3A_178 = tpu.memref_slice %arg8[%dma_start3A_175, %dma_start3A_176, %dma_start3A_177] : memref<4x128x128xf32, #tpu.memory_space<vmem>> -> memref<1x128x128xf32, #tpu.memory_space<vmem>>
      %dma_start3A_179 = tpu.memref_squeeze %dma_start3A_178 : memref<1x128x128xf32, #tpu.memory_space<vmem>> -> memref<128x128xf32, #tpu.memory_space<vmem>>
      %dma_start3A_180 = arith.constant 0 : i32
      %dma_start3A_181 = tpu.memref_slice %arg6[%add3A_174, %dma_start3A_180] : memref<98304x128xf32, #tpu.memory_space<hbm>> -> memref<128x128xf32, #tpu.memory_space<hbm>>
      %dma_start3A_182 = arith.constant 0 : i32
      %dma_start3A_183 = tpu.memref_slice %arg6[%add3A_174, %dma_start3A_182] : memref<98304x128xf32, #tpu.memory_space<hbm>> -> memref<128x128xf32, #tpu.memory_space<hbm>>
      %dma_start3A_184 = arith.constant 0 : i32
      %dma_start3A_185 = arith.constant 0 : i32
      %dma_start3A_186 = tpu.memref_slice %arg8[%dma_start3A_175, %dma_start3A_184, %dma_start3A_185] : memref<4x128x128xf32, #tpu.memory_space<vmem>> -> memref<1x128x128xf32, #tpu.memory_space<vmem>>
      %dma_start3A_187 = tpu.memref_squeeze %dma_start3A_186 : memref<1x128x128xf32, #tpu.memory_space<vmem>> -> memref<128x128xf32, #tpu.memory_space<vmem>>
      tpu.enqueue_dma source(%dma_start3A_187 : memref<128x128xf32, #tpu.memory_space<vmem>>) target(%dma_start3A_183 : memref<128x128xf32, #tpu.memory_space<hbm>>) target_semaphore(%arg10 : memref<!tpu.dma_semaphore, #tpu.memory_space<semaphore_mem>>)
      %dma_wait3A_188 = arith.constant 3 : i32
      %dma_wait3A_189 = arith.constant 0 : i32
      %dma_wait3A_190 = arith.constant 0 : i32
      %dma_wait3A_191 = tpu.memref_slice %arg8[%dma_wait3A_188, %dma_wait3A_189, %dma_wait3A_190] : memref<4x128x128xf32, #tpu.memory_space<vmem>> -> memref<1x128x128xf32, #tpu.memory_space<vmem>>
      %dma_wait3A_192 = tpu.memref_squeeze %dma_wait3A_191 : memref<1x128x128xf32, #tpu.memory_space<vmem>> -> memref<128x128xf32, #tpu.memory_space<vmem>>
      %dma_wait3A_193 = arith.constant 0 : i32
      %dma_wait3A_194 = tpu.memref_slice %arg7[%add3A_84, %dma_wait3A_193] : memref<8x128xi32, #tpu.memory_space<vmem>> -> memref<1x128xi32, #tpu.memory_space<vmem>>
      %dma_wait3A_195 = tpu.memref_squeeze %dma_wait3A_194 : memref<1x128xi32, #tpu.memory_space<vmem>> -> memref<128xi32, #tpu.memory_space<vmem>>
      %dma_wait3A_196 = arith.constant 0 : i32
      %dma_wait3A_197 = arith.constant 0 : i32
      %dma_wait3A_198 = tpu.memref_slice %arg5[%dma_wait3A_196, %dma_wait3A_197] : memref<1024x128xf32, #tpu.memory_space<hbm>> -> memref<1024x128xf32, #tpu.memory_space<hbm>>
      tpu.wait_indirect_dma semaphore(%arg9 : memref<!tpu.dma_semaphore, #tpu.memory_space<semaphore_mem>>) src(%dma_wait3A_198 : memref<1024x128xf32, #tpu.memory_space<hbm>>) dst(%dma_wait3A_192 : memref<128x128xf32, #tpu.memory_space<vmem>>)
      %mul3A_199 = arith.constant 4 : i32
      %mul3A_200 = arith.muli %scan3A_36, %mul3A_199 : i32
      %add3A_201 = arith.constant 3 : i32
      %add3A_202 = arith.addi %mul3A_200, %add3A_201 : i32
      %mul3A_203 = arith.constant 128 : i32
      %mul3A_204 = arith.muli %add3A_202, %mul3A_203 : i32
      %add3A_205 = arith.addi %add3A_15, %mul3A_204 : i32
      %dma_start3A_206 = arith.constant 3 : i32
      %dma_start3A_207 = arith.constant 0 : i32
      %dma_start3A_208 = arith.constant 0 : i32
      %dma_start3A_209 = tpu.memref_slice %arg8[%dma_start3A_206, %dma_start3A_207, %dma_start3A_208] : memref<4x128x128xf32, #tpu.memory_space<vmem>> -> memref<1x128x128xf32, #tpu.memory_space<vmem>>
      %dma_start3A_210 = tpu.memref_squeeze %dma_start3A_209 : memref<1x128x128xf32, #tpu.memory_space<vmem>> -> memref<128x128xf32, #tpu.memory_space<vmem>>
      %dma_start3A_211 = arith.constant 0 : i32
      %dma_start3A_212 = tpu.memref_slice %arg6[%add3A_205, %dma_start3A_211] : memref<98304x128xf32, #tpu.memory_space<hbm>> -> memref<128x128xf32, #tpu.memory_space<hbm>>
      %dma_start3A_213 = arith.constant 0 : i32
      %dma_start3A_214 = tpu.memref_slice %arg6[%add3A_205, %dma_start3A_213] : memref<98304x128xf32, #tpu.memory_space<hbm>> -> memref<128x128xf32, #tpu.memory_space<hbm>>
      %dma_start3A_215 = arith.constant 0 : i32
      %dma_start3A_216 = arith.constant 0 : i32
      %dma_start3A_217 = tpu.memref_slice %arg8[%dma_start3A_206, %dma_start3A_215, %dma_start3A_216] : memref<4x128x128xf32, #tpu.memory_space<vmem>> -> memref<1x128x128xf32, #tpu.memory_space<vmem>>
      %dma_start3A_218 = tpu.memref_squeeze %dma_start3A_217 : memref<1x128x128xf32, #tpu.memory_space<vmem>> -> memref<128x128xf32, #tpu.memory_space<vmem>>
      tpu.enqueue_dma source(%dma_start3A_218 : memref<128x128xf32, #tpu.memory_space<vmem>>) target(%dma_start3A_214 : memref<128x128xf32, #tpu.memory_space<hbm>>) target_semaphore(%arg10 : memref<!tpu.dma_semaphore, #tpu.memory_space<semaphore_mem>>)
      %dma_wait3A_219 = arith.constant 0 : i32
      %dma_wait3A_220 = arith.constant 0 : i32
      %dma_wait3A_221 = arith.constant 0 : i32
      %dma_wait3A_222 = tpu.memref_slice %arg8[%dma_wait3A_219, %dma_wait3A_220, %dma_wait3A_221] : memref<4x128x128xf32, #tpu.memory_space<vmem>> -> memref<1x128x128xf32, #tpu.memory_space<vmem>>
      %dma_wait3A_223 = tpu.memref_squeeze %dma_wait3A_222 : memref<1x128x128xf32, #tpu.memory_space<vmem>> -> memref<128x128xf32, #tpu.memory_space<vmem>>
      %dma_wait3A_224 = arith.constant 0 : i32
      %dma_wait3A_225 = tpu.memref_slice %arg6[%add3A_112, %dma_wait3A_224] : memref<98304x128xf32, #tpu.memory_space<hbm>> -> memref<128x128xf32, #tpu.memory_space<hbm>>
      %dma_wait3A_226 = arith.constant 0 : i32
      %dma_wait3A_227 = tpu.memref_slice %arg6[%add3A_112, %dma_wait3A_226] : memref<98304x128xf32, #tpu.memory_space<hbm>> -> memref<128x128xf32, #tpu.memory_space<hbm>>
      %dma_wait3A_228 = arith.constant 0 : i32
      %dma_wait3A_229 = arith.constant 0 : i32
      %dma_wait3A_230 = tpu.memref_slice %arg8[%dma_wait3A_219, %dma_wait3A_228, %dma_wait3A_229] : memref<4x128x128xf32, #tpu.memory_space<vmem>> -> memref<1x128x128xf32, #tpu.memory_space<vmem>>
      %dma_wait3A_231 = tpu.memref_squeeze %dma_wait3A_230 : memref<1x128x128xf32, #tpu.memory_space<vmem>> -> memref<128x128xf32, #tpu.memory_space<vmem>>
      tpu.wait_dma2 semaphore(%arg10 : memref<!tpu.dma_semaphore, #tpu.memory_space<semaphore_mem>>) src(%dma_wait3A_231 : memref<128x128xf32, #tpu.memory_space<vmem>>) dst(%dma_wait3A_227 : memref<128x128xf32, #tpu.memory_space<hbm>>)
      %dma_wait3A_232 = arith.constant 1 : i32
      %dma_wait3A_233 = arith.constant 0 : i32
      %dma_wait3A_234 = arith.constant 0 : i32
      %dma_wait3A_235 = tpu.memref_slice %arg8[%dma_wait3A_232, %dma_wait3A_233, %dma_wait3A_234] : memref<4x128x128xf32, #tpu.memory_space<vmem>> -> memref<1x128x128xf32, #tpu.memory_space<vmem>>
      %dma_wait3A_236 = tpu.memref_squeeze %dma_wait3A_235 : memref<1x128x128xf32, #tpu.memory_space<vmem>> -> memref<128x128xf32, #tpu.memory_space<vmem>>
      %dma_wait3A_237 = arith.constant 0 : i32
      %dma_wait3A_238 = tpu.memref_slice %arg6[%add3A_143, %dma_wait3A_237] : memref<98304x128xf32, #tpu.memory_space<hbm>> -> memref<128x128xf32, #tpu.memory_space<hbm>>
      %dma_wait3A_239 = arith.constant 0 : i32
      %dma_wait3A_240 = tpu.memref_slice %arg6[%add3A_143, %dma_wait3A_239] : memref<98304x128xf32, #tpu.memory_space<hbm>> -> memref<128x128xf32, #tpu.memory_space<hbm>>
      %dma_wait3A_241 = arith.constant 0 : i32
      %dma_wait3A_242 = arith.constant 0 : i32
      %dma_wait3A_243 = tpu.memref_slice %arg8[%dma_wait3A_232, %dma_wait3A_241, %dma_wait3A_242] : memref<4x128x128xf32, #tpu.memory_space<vmem>> -> memref<1x128x128xf32, #tpu.memory_space<vmem>>
      %dma_wait3A_244 = tpu.memref_squeeze %dma_wait3A_243 : memref<1x128x128xf32, #tpu.memory_space<vmem>> -> memref<128x128xf32, #tpu.memory_space<vmem>>
      tpu.wait_dma2 semaphore(%arg10 : memref<!tpu.dma_semaphore, #tpu.memory_space<semaphore_mem>>) src(%dma_wait3A_244 : memref<128x128xf32, #tpu.memory_space<vmem>>) dst(%dma_wait3A_240 : memref<128x128xf32, #tpu.memory_space<hbm>>)
      %dma_wait3A_245 = arith.constant 2 : i32
      %dma_wait3A_246 = arith.constant 0 : i32
      %dma_wait3A_247 = arith.constant 0 : i32
      %dma_wait3A_248 = tpu.memref_slice %arg8[%dma_wait3A_245, %dma_wait3A_246, %dma_wait3A_247] : memref<4x128x128xf32, #tpu.memory_space<vmem>> -> memref<1x128x128xf32, #tpu.memory_space<vmem>>
      %dma_wait3A_249 = tpu.memref_squeeze %dma_wait3A_248 : memref<1x128x128xf32, #tpu.memory_space<vmem>> -> memref<128x128xf32, #tpu.memory_space<vmem>>
      %dma_wait3A_250 = arith.constant 0 : i32
      %dma_wait3A_251 = tpu.memref_slice %arg6[%add3A_174, %dma_wait3A_250] : memref<98304x128xf32, #tpu.memory_space<hbm>> -> memref<128x128xf32, #tpu.memory_space<hbm>>
      %dma_wait3A_252 = arith.constant 0 : i32
      %dma_wait3A_253 = tpu.memref_slice %arg6[%add3A_174, %dma_wait3A_252] : memref<98304x128xf32, #tpu.memory_space<hbm>> -> memref<128x128xf32, #tpu.memory_space<hbm>>
      %dma_wait3A_254 = arith.constant 0 : i32
      %dma_wait3A_255 = arith.constant 0 : i32
      %dma_wait3A_256 = tpu.memref_slice %arg8[%dma_wait3A_245, %dma_wait3A_254, %dma_wait3A_255] : memref<4x128x128xf32, #tpu.memory_space<vmem>> -> memref<1x128x128xf32, #tpu.memory_space<vmem>>
      %dma_wait3A_257 = tpu.memref_squeeze %dma_wait3A_256 : memref<1x128x128xf32, #tpu.memory_space<vmem>> -> memref<128x128xf32, #tpu.memory_space<vmem>>
      tpu.wait_dma2 semaphore(%arg10 : memref<!tpu.dma_semaphore, #tpu.memory_space<semaphore_mem>>) src(%dma_wait3A_257 : memref<128x128xf32, #tpu.memory_space<vmem>>) dst(%dma_wait3A_253 : memref<128x128xf32, #tpu.memory_space<hbm>>)
      %dma_wait3A_258 = arith.constant 3 : i32
      %dma_wait3A_259 = arith.constant 0 : i32
      %dma_wait3A_260 = arith.constant 0 : i32
      %dma_wait3A_261 = tpu.memref_slice %arg8[%dma_wait3A_258, %dma_wait3A_259, %dma_wait3A_260] : memref<4x128x128xf32, #tpu.memory_space<vmem>> -> memref<1x128x128xf32, #tpu.memory_space<vmem>>
      %dma_wait3A_262 = tpu.memref_squeeze %dma_wait3A_261 : memref<1x128x128xf32, #tpu.memory_space<vmem>> -> memref<128x128xf32, #tpu.memory_space<vmem>>
      %dma_wait3A_263 = arith.constant 0 : i32
      %dma_wait3A_264 = tpu.memref_slice %arg6[%add3A_205, %dma_wait3A_263] : memref<98304x128xf32, #tpu.memory_space<hbm>> -> memref<128x128xf32, #tpu.memory_space<hbm>>
      %dma_wait3A_265 = arith.constant 0 : i32
      %dma_wait3A_266 = tpu.memref_slice %arg6[%add3A_205, %dma_wait3A_265] : memref<98304x128xf32, #tpu.memory_space<hbm>> -> memref<128x128xf32, #tpu.memory_space<hbm>>
      %dma_wait3A_267 = arith.constant 0 : i32
      %dma_wait3A_268 = arith.constant 0 : i32
      %dma_wait3A_269 = tpu.memref_slice %arg8[%dma_wait3A_258, %dma_wait3A_267, %dma_wait3A_268] : memref<4x128x128xf32, #tpu.memory_space<vmem>> -> memref<1x128x128xf32, #tpu.memory_space<vmem>>
      %dma_wait3A_270 = tpu.memref_squeeze %dma_wait3A_269 : memref<1x128x128xf32, #tpu.memory_space<vmem>> -> memref<128x128xf32, #tpu.memory_space<vmem>>
      tpu.wait_dma2 semaphore(%arg10 : memref<!tpu.dma_semaphore, #tpu.memory_space<semaphore_mem>>) src(%dma_wait3A_270 : memref<128x128xf32, #tpu.memory_space<vmem>>) dst(%dma_wait3A_266 : memref<128x128xf32, #tpu.memory_space<hbm>>)
    }
    %scan3A_23 = arith.constant 2 : i32
    %mul3A_24 = arith.constant 1024 : i32
    %mul3A_25 = arith.muli %add3A, %mul3A_24 : i32
    %add3A_26 = arith.constant 65536 : i32
    %add3A_27 = arith.addi %add3A_26, %mul3A_25 : i32
    %mul3A_28 = arith.constant 8 : i32
    %mul3A_29 = arith.muli %add3A, %mul3A_28 : i32
    "tpu.region"() ({
      %run_scoped3A = tpu.sem_alloc : memref<!tpu.dma_semaphore, #tpu.memory_space<semaphore_mem>>
      %dma_start3A = arith.constant 0 : i32
      %dma_start3A_36 = tpu.memref_slice %arg4[%mul3A_29, %dma_start3A] : memref<256x128xi32, #tpu.memory_space<hbm>> -> memref<8x128xi32, #tpu.memory_space<hbm>>
      %dma_start3A_37 = arith.constant 0 : i32
      %dma_start3A_38 = tpu.memref_slice %arg4[%mul3A_29, %dma_start3A_37] : memref<256x128xi32, #tpu.memory_space<hbm>> -> memref<8x128xi32, #tpu.memory_space<hbm>>
      tpu.enqueue_dma source(%dma_start3A_38 : memref<8x128xi32, #tpu.memory_space<hbm>>) target(%arg7 : memref<8x128xi32, #tpu.memory_space<vmem>>) target_semaphore(%run_scoped3A : memref<!tpu.dma_semaphore, #tpu.memory_space<semaphore_mem>>)
      %dma_wait3A = arith.constant 0 : i32
      %dma_wait3A_39 = tpu.memref_slice %arg4[%mul3A_29, %dma_wait3A] : memref<256x128xi32, #tpu.memory_space<hbm>> -> memref<8x128xi32, #tpu.memory_space<hbm>>
      %dma_wait3A_40 = arith.constant 0 : i32
      %dma_wait3A_41 = tpu.memref_slice %arg4[%mul3A_29, %dma_wait3A_40] : memref<256x128xi32, #tpu.memory_space<hbm>> -> memref<8x128xi32, #tpu.memory_space<hbm>>
      tpu.wait_dma2 semaphore(%run_scoped3A : memref<!tpu.dma_semaphore, #tpu.memory_space<semaphore_mem>>) src(%dma_wait3A_41 : memref<8x128xi32, #tpu.memory_space<hbm>>) dst(%arg7 : memref<8x128xi32, #tpu.memory_space<vmem>>)
      tpu.yield
    }) : () -> ()
    %scan3A_30 = arith.constant 0 : i32
    %scan3A_31 = arith.constant 0 : i32
    %scan3A_32 = arith.constant 2 : i32
    %scan3A_33 = arith.addi %scan3A_31, %scan3A_32 : i32
    %scan3A_34 = arith.constant 1 : i32
    scf.for %scan3A_36 = %scan3A_31 to %scan3A_33 step %scan3A_34  : i32 {
      %mul3A_37 = arith.constant 4 : i32
      %mul3A_38 = arith.muli %scan3A_36, %mul3A_37 : i32
      %add3A_39 = arith.constant 0 : i32
      %add3A_40 = arith.addi %mul3A_38, %add3A_39 : i32
      %dma_start3A = arith.constant 0 : i32
      %dma_start3A_41 = arith.constant 0 : i32
      %dma_start3A_42 = arith.constant 0 : i32
      %dma_start3A_43 = tpu.memref_slice %arg8[%dma_start3A, %dma_start3A_41, %dma_start3A_42] : memref<4x128x128xf32, #tpu.memory_space<vmem>> -> memref<1x128x128xf32, #tpu.memory_space<vmem>>
      %dma_start3A_44 = tpu.memref_squeeze %dma_start3A_43 : memref<1x128x128xf32, #tpu.memory_space<vmem>> -> memref<128x128xf32, #tpu.memory_space<vmem>>
      %dma_start3A_45 = arith.constant 0 : i32
      %dma_start3A_46 = tpu.memref_slice %arg7[%add3A_40, %dma_start3A_45] : memref<8x128xi32, #tpu.memory_space<vmem>> -> memref<1x128xi32, #tpu.memory_space<vmem>>
      %dma_start3A_47 = tpu.memref_squeeze %dma_start3A_46 : memref<1x128xi32, #tpu.memory_space<vmem>> -> memref<128xi32, #tpu.memory_space<vmem>>
      %dma_start3A_48 = arith.constant 0 : i32
      %dma_start3A_49 = arith.constant 0 : i32
      %dma_start3A_50 = tpu.memref_slice %arg5[%dma_start3A_48, %dma_start3A_49] : memref<1024x128xf32, #tpu.memory_space<hbm>> -> memref<1024x128xf32, #tpu.memory_space<hbm>>
      tpu.enqueue_indirect_dma source(%dma_start3A_50 : memref<1024x128xf32, #tpu.memory_space<hbm>>) target(%dma_start3A_44 : memref<128x128xf32, #tpu.memory_space<vmem>>) offsets(%dma_start3A_47 : memref<128xi32, #tpu.memory_space<vmem>>) semaphore(%arg9 : memref<!tpu.dma_semaphore, #tpu.memory_space<semaphore_mem>>)
      %mul3A_51 = arith.constant 4 : i32
      %mul3A_52 = arith.muli %scan3A_36, %mul3A_51 : i32
      %add3A_53 = arith.constant 1 : i32
      %add3A_54 = arith.addi %mul3A_52, %add3A_53 : i32
      %dma_start3A_55 = arith.constant 1 : i32
      %dma_start3A_56 = arith.constant 0 : i32
      %dma_start3A_57 = arith.constant 0 : i32
      %dma_start3A_58 = tpu.memref_slice %arg8[%dma_start3A_55, %dma_start3A_56, %dma_start3A_57] : memref<4x128x128xf32, #tpu.memory_space<vmem>> -> memref<1x128x128xf32, #tpu.memory_space<vmem>>
      %dma_start3A_59 = tpu.memref_squeeze %dma_start3A_58 : memref<1x128x128xf32, #tpu.memory_space<vmem>> -> memref<128x128xf32, #tpu.memory_space<vmem>>
      %dma_start3A_60 = arith.constant 0 : i32
      %dma_start3A_61 = tpu.memref_slice %arg7[%add3A_54, %dma_start3A_60] : memref<8x128xi32, #tpu.memory_space<vmem>> -> memref<1x128xi32, #tpu.memory_space<vmem>>
      %dma_start3A_62 = tpu.memref_squeeze %dma_start3A_61 : memref<1x128xi32, #tpu.memory_space<vmem>> -> memref<128xi32, #tpu.memory_space<vmem>>
      %dma_start3A_63 = arith.constant 0 : i32
      %dma_start3A_64 = arith.constant 0 : i32
      %dma_start3A_65 = tpu.memref_slice %arg5[%dma_start3A_63, %dma_start3A_64] : memref<1024x128xf32, #tpu.memory_space<hbm>> -> memref<1024x128xf32, #tpu.memory_space<hbm>>
      tpu.enqueue_indirect_dma source(%dma_start3A_65 : memref<1024x128xf32, #tpu.memory_space<hbm>>) target(%dma_start3A_59 : memref<128x128xf32, #tpu.memory_space<vmem>>) offsets(%dma_start3A_62 : memref<128xi32, #tpu.memory_space<vmem>>) semaphore(%arg9 : memref<!tpu.dma_semaphore, #tpu.memory_space<semaphore_mem>>)
      %mul3A_66 = arith.constant 4 : i32
      %mul3A_67 = arith.muli %scan3A_36, %mul3A_66 : i32
      %add3A_68 = arith.constant 2 : i32
      %add3A_69 = arith.addi %mul3A_67, %add3A_68 : i32
      %dma_start3A_70 = arith.constant 2 : i32
      %dma_start3A_71 = arith.constant 0 : i32
      %dma_start3A_72 = arith.constant 0 : i32
      %dma_start3A_73 = tpu.memref_slice %arg8[%dma_start3A_70, %dma_start3A_71, %dma_start3A_72] : memref<4x128x128xf32, #tpu.memory_space<vmem>> -> memref<1x128x128xf32, #tpu.memory_space<vmem>>
      %dma_start3A_74 = tpu.memref_squeeze %dma_start3A_73 : memref<1x128x128xf32, #tpu.memory_space<vmem>> -> memref<128x128xf32, #tpu.memory_space<vmem>>
      %dma_start3A_75 = arith.constant 0 : i32
      %dma_start3A_76 = tpu.memref_slice %arg7[%add3A_69, %dma_start3A_75] : memref<8x128xi32, #tpu.memory_space<vmem>> -> memref<1x128xi32, #tpu.memory_space<vmem>>
      %dma_start3A_77 = tpu.memref_squeeze %dma_start3A_76 : memref<1x128xi32, #tpu.memory_space<vmem>> -> memref<128xi32, #tpu.memory_space<vmem>>
      %dma_start3A_78 = arith.constant 0 : i32
      %dma_start3A_79 = arith.constant 0 : i32
      %dma_start3A_80 = tpu.memref_slice %arg5[%dma_start3A_78, %dma_start3A_79] : memref<1024x128xf32, #tpu.memory_space<hbm>> -> memref<1024x128xf32, #tpu.memory_space<hbm>>
      tpu.enqueue_indirect_dma source(%dma_start3A_80 : memref<1024x128xf32, #tpu.memory_space<hbm>>) target(%dma_start3A_74 : memref<128x128xf32, #tpu.memory_space<vmem>>) offsets(%dma_start3A_77 : memref<128xi32, #tpu.memory_space<vmem>>) semaphore(%arg9 : memref<!tpu.dma_semaphore, #tpu.memory_space<semaphore_mem>>)
      %mul3A_81 = arith.constant 4 : i32
      %mul3A_82 = arith.muli %scan3A_36, %mul3A_81 : i32
      %add3A_83 = arith.constant 3 : i32
      %add3A_84 = arith.addi %mul3A_82, %add3A_83 : i32
      %dma_start3A_85 = arith.constant 3 : i32
      %dma_start3A_86 = arith.constant 0 : i32
      %dma_start3A_87 = arith.constant 0 : i32
      %dma_start3A_88 = tpu.memref_slice %arg8[%dma_start3A_85, %dma_start3A_86, %dma_start3A_87] : memref<4x128x128xf32, #tpu.memory_space<vmem>> -> memref<1x128x128xf32, #tpu.memory_space<vmem>>
      %dma_start3A_89 = tpu.memref_squeeze %dma_start3A_88 : memref<1x128x128xf32, #tpu.memory_space<vmem>> -> memref<128x128xf32, #tpu.memory_space<vmem>>
      %dma_start3A_90 = arith.constant 0 : i32
      %dma_start3A_91 = tpu.memref_slice %arg7[%add3A_84, %dma_start3A_90] : memref<8x128xi32, #tpu.memory_space<vmem>> -> memref<1x128xi32, #tpu.memory_space<vmem>>
      %dma_start3A_92 = tpu.memref_squeeze %dma_start3A_91 : memref<1x128xi32, #tpu.memory_space<vmem>> -> memref<128xi32, #tpu.memory_space<vmem>>
      %dma_start3A_93 = arith.constant 0 : i32
      %dma_start3A_94 = arith.constant 0 : i32
      %dma_start3A_95 = tpu.memref_slice %arg5[%dma_start3A_93, %dma_start3A_94] : memref<1024x128xf32, #tpu.memory_space<hbm>> -> memref<1024x128xf32, #tpu.memory_space<hbm>>
      tpu.enqueue_indirect_dma source(%dma_start3A_95 : memref<1024x128xf32, #tpu.memory_space<hbm>>) target(%dma_start3A_89 : memref<128x128xf32, #tpu.memory_space<vmem>>) offsets(%dma_start3A_92 : memref<128xi32, #tpu.memory_space<vmem>>) semaphore(%arg9 : memref<!tpu.dma_semaphore, #tpu.memory_space<semaphore_mem>>)
      %dma_wait3A = arith.constant 0 : i32
      %dma_wait3A_96 = arith.constant 0 : i32
      %dma_wait3A_97 = arith.constant 0 : i32
      %dma_wait3A_98 = tpu.memref_slice %arg8[%dma_wait3A, %dma_wait3A_96, %dma_wait3A_97] : memref<4x128x128xf32, #tpu.memory_space<vmem>> -> memref<1x128x128xf32, #tpu.memory_space<vmem>>
      %dma_wait3A_99 = tpu.memref_squeeze %dma_wait3A_98 : memref<1x128x128xf32, #tpu.memory_space<vmem>> -> memref<128x128xf32, #tpu.memory_space<vmem>>
      %dma_wait3A_100 = arith.constant 0 : i32
      %dma_wait3A_101 = tpu.memref_slice %arg7[%add3A_40, %dma_wait3A_100] : memref<8x128xi32, #tpu.memory_space<vmem>> -> memref<1x128xi32, #tpu.memory_space<vmem>>
      %dma_wait3A_102 = tpu.memref_squeeze %dma_wait3A_101 : memref<1x128xi32, #tpu.memory_space<vmem>> -> memref<128xi32, #tpu.memory_space<vmem>>
      %dma_wait3A_103 = arith.constant 0 : i32
      %dma_wait3A_104 = arith.constant 0 : i32
      %dma_wait3A_105 = tpu.memref_slice %arg5[%dma_wait3A_103, %dma_wait3A_104] : memref<1024x128xf32, #tpu.memory_space<hbm>> -> memref<1024x128xf32, #tpu.memory_space<hbm>>
      tpu.wait_indirect_dma semaphore(%arg9 : memref<!tpu.dma_semaphore, #tpu.memory_space<semaphore_mem>>) src(%dma_wait3A_105 : memref<1024x128xf32, #tpu.memory_space<hbm>>) dst(%dma_wait3A_99 : memref<128x128xf32, #tpu.memory_space<vmem>>)
      %mul3A_106 = arith.constant 4 : i32
      %mul3A_107 = arith.muli %scan3A_36, %mul3A_106 : i32
      %add3A_108 = arith.constant 0 : i32
      %add3A_109 = arith.addi %mul3A_107, %add3A_108 : i32
      %mul3A_110 = arith.constant 128 : i32
      %mul3A_111 = arith.muli %add3A_109, %mul3A_110 : i32
      %add3A_112 = arith.addi %add3A_27, %mul3A_111 : i32
      %dma_start3A_113 = arith.constant 0 : i32
      %dma_start3A_114 = arith.constant 0 : i32
      %dma_start3A_115 = arith.constant 0 : i32
      %dma_start3A_116 = tpu.memref_slice %arg8[%dma_start3A_113, %dma_start3A_114, %dma_start3A_115] : memref<4x128x128xf32, #tpu.memory_space<vmem>> -> memref<1x128x128xf32, #tpu.memory_space<vmem>>
      %dma_start3A_117 = tpu.memref_squeeze %dma_start3A_116 : memref<1x128x128xf32, #tpu.memory_space<vmem>> -> memref<128x128xf32, #tpu.memory_space<vmem>>
      %dma_start3A_118 = arith.constant 0 : i32
      %dma_start3A_119 = tpu.memref_slice %arg6[%add3A_112, %dma_start3A_118] : memref<98304x128xf32, #tpu.memory_space<hbm>> -> memref<128x128xf32, #tpu.memory_space<hbm>>
      %dma_start3A_120 = arith.constant 0 : i32
      %dma_start3A_121 = tpu.memref_slice %arg6[%add3A_112, %dma_start3A_120] : memref<98304x128xf32, #tpu.memory_space<hbm>> -> memref<128x128xf32, #tpu.memory_space<hbm>>
      %dma_start3A_122 = arith.constant 0 : i32
      %dma_start3A_123 = arith.constant 0 : i32
      %dma_start3A_124 = tpu.memref_slice %arg8[%dma_start3A_113, %dma_start3A_122, %dma_start3A_123] : memref<4x128x128xf32, #tpu.memory_space<vmem>> -> memref<1x128x128xf32, #tpu.memory_space<vmem>>
      %dma_start3A_125 = tpu.memref_squeeze %dma_start3A_124 : memref<1x128x128xf32, #tpu.memory_space<vmem>> -> memref<128x128xf32, #tpu.memory_space<vmem>>
      tpu.enqueue_dma source(%dma_start3A_125 : memref<128x128xf32, #tpu.memory_space<vmem>>) target(%dma_start3A_121 : memref<128x128xf32, #tpu.memory_space<hbm>>) target_semaphore(%arg10 : memref<!tpu.dma_semaphore, #tpu.memory_space<semaphore_mem>>)
      %dma_wait3A_126 = arith.constant 1 : i32
      %dma_wait3A_127 = arith.constant 0 : i32
      %dma_wait3A_128 = arith.constant 0 : i32
      %dma_wait3A_129 = tpu.memref_slice %arg8[%dma_wait3A_126, %dma_wait3A_127, %dma_wait3A_128] : memref<4x128x128xf32, #tpu.memory_space<vmem>> -> memref<1x128x128xf32, #tpu.memory_space<vmem>>
      %dma_wait3A_130 = tpu.memref_squeeze %dma_wait3A_129 : memref<1x128x128xf32, #tpu.memory_space<vmem>> -> memref<128x128xf32, #tpu.memory_space<vmem>>
      %dma_wait3A_131 = arith.constant 0 : i32
      %dma_wait3A_132 = tpu.memref_slice %arg7[%add3A_54, %dma_wait3A_131] : memref<8x128xi32, #tpu.memory_space<vmem>> -> memref<1x128xi32, #tpu.memory_space<vmem>>
      %dma_wait3A_133 = tpu.memref_squeeze %dma_wait3A_132 : memref<1x128xi32, #tpu.memory_space<vmem>> -> memref<128xi32, #tpu.memory_space<vmem>>
      %dma_wait3A_134 = arith.constant 0 : i32
      %dma_wait3A_135 = arith.constant 0 : i32
      %dma_wait3A_136 = tpu.memref_slice %arg5[%dma_wait3A_134, %dma_wait3A_135] : memref<1024x128xf32, #tpu.memory_space<hbm>> -> memref<1024x128xf32, #tpu.memory_space<hbm>>
      tpu.wait_indirect_dma semaphore(%arg9 : memref<!tpu.dma_semaphore, #tpu.memory_space<semaphore_mem>>) src(%dma_wait3A_136 : memref<1024x128xf32, #tpu.memory_space<hbm>>) dst(%dma_wait3A_130 : memref<128x128xf32, #tpu.memory_space<vmem>>)
      %mul3A_137 = arith.constant 4 : i32
      %mul3A_138 = arith.muli %scan3A_36, %mul3A_137 : i32
      %add3A_139 = arith.constant 1 : i32
      %add3A_140 = arith.addi %mul3A_138, %add3A_139 : i32
      %mul3A_141 = arith.constant 128 : i32
      %mul3A_142 = arith.muli %add3A_140, %mul3A_141 : i32
      %add3A_143 = arith.addi %add3A_27, %mul3A_142 : i32
      %dma_start3A_144 = arith.constant 1 : i32
      %dma_start3A_145 = arith.constant 0 : i32
      %dma_start3A_146 = arith.constant 0 : i32
      %dma_start3A_147 = tpu.memref_slice %arg8[%dma_start3A_144, %dma_start3A_145, %dma_start3A_146] : memref<4x128x128xf32, #tpu.memory_space<vmem>> -> memref<1x128x128xf32, #tpu.memory_space<vmem>>
      %dma_start3A_148 = tpu.memref_squeeze %dma_start3A_147 : memref<1x128x128xf32, #tpu.memory_space<vmem>> -> memref<128x128xf32, #tpu.memory_space<vmem>>
      %dma_start3A_149 = arith.constant 0 : i32
      %dma_start3A_150 = tpu.memref_slice %arg6[%add3A_143, %dma_start3A_149] : memref<98304x128xf32, #tpu.memory_space<hbm>> -> memref<128x128xf32, #tpu.memory_space<hbm>>
      %dma_start3A_151 = arith.constant 0 : i32
      %dma_start3A_152 = tpu.memref_slice %arg6[%add3A_143, %dma_start3A_151] : memref<98304x128xf32, #tpu.memory_space<hbm>> -> memref<128x128xf32, #tpu.memory_space<hbm>>
      %dma_start3A_153 = arith.constant 0 : i32
      %dma_start3A_154 = arith.constant 0 : i32
      %dma_start3A_155 = tpu.memref_slice %arg8[%dma_start3A_144, %dma_start3A_153, %dma_start3A_154] : memref<4x128x128xf32, #tpu.memory_space<vmem>> -> memref<1x128x128xf32, #tpu.memory_space<vmem>>
      %dma_start3A_156 = tpu.memref_squeeze %dma_start3A_155 : memref<1x128x128xf32, #tpu.memory_space<vmem>> -> memref<128x128xf32, #tpu.memory_space<vmem>>
      tpu.enqueue_dma source(%dma_start3A_156 : memref<128x128xf32, #tpu.memory_space<vmem>>) target(%dma_start3A_152 : memref<128x128xf32, #tpu.memory_space<hbm>>) target_semaphore(%arg10 : memref<!tpu.dma_semaphore, #tpu.memory_space<semaphore_mem>>)
      %dma_wait3A_157 = arith.constant 2 : i32
      %dma_wait3A_158 = arith.constant 0 : i32
      %dma_wait3A_159 = arith.constant 0 : i32
      %dma_wait3A_160 = tpu.memref_slice %arg8[%dma_wait3A_157, %dma_wait3A_158, %dma_wait3A_159] : memref<4x128x128xf32, #tpu.memory_space<vmem>> -> memref<1x128x128xf32, #tpu.memory_space<vmem>>
      %dma_wait3A_161 = tpu.memref_squeeze %dma_wait3A_160 : memref<1x128x128xf32, #tpu.memory_space<vmem>> -> memref<128x128xf32, #tpu.memory_space<vmem>>
      %dma_wait3A_162 = arith.constant 0 : i32
      %dma_wait3A_163 = tpu.memref_slice %arg7[%add3A_69, %dma_wait3A_162] : memref<8x128xi32, #tpu.memory_space<vmem>> -> memref<1x128xi32, #tpu.memory_space<vmem>>
      %dma_wait3A_164 = tpu.memref_squeeze %dma_wait3A_163 : memref<1x128xi32, #tpu.memory_space<vmem>> -> memref<128xi32, #tpu.memory_space<vmem>>
      %dma_wait3A_165 = arith.constant 0 : i32
      %dma_wait3A_166 = arith.constant 0 : i32
      %dma_wait3A_167 = tpu.memref_slice %arg5[%dma_wait3A_165, %dma_wait3A_166] : memref<1024x128xf32, #tpu.memory_space<hbm>> -> memref<1024x128xf32, #tpu.memory_space<hbm>>
      tpu.wait_indirect_dma semaphore(%arg9 : memref<!tpu.dma_semaphore, #tpu.memory_space<semaphore_mem>>) src(%dma_wait3A_167 : memref<1024x128xf32, #tpu.memory_space<hbm>>) dst(%dma_wait3A_161 : memref<128x128xf32, #tpu.memory_space<vmem>>)
      %mul3A_168 = arith.constant 4 : i32
      %mul3A_169 = arith.muli %scan3A_36, %mul3A_168 : i32
      %add3A_170 = arith.constant 2 : i32
      %add3A_171 = arith.addi %mul3A_169, %add3A_170 : i32
      %mul3A_172 = arith.constant 128 : i32
      %mul3A_173 = arith.muli %add3A_171, %mul3A_172 : i32
      %add3A_174 = arith.addi %add3A_27, %mul3A_173 : i32
      %dma_start3A_175 = arith.constant 2 : i32
      %dma_start3A_176 = arith.constant 0 : i32
      %dma_start3A_177 = arith.constant 0 : i32
      %dma_start3A_178 = tpu.memref_slice %arg8[%dma_start3A_175, %dma_start3A_176, %dma_start3A_177] : memref<4x128x128xf32, #tpu.memory_space<vmem>> -> memref<1x128x128xf32, #tpu.memory_space<vmem>>
      %dma_start3A_179 = tpu.memref_squeeze %dma_start3A_178 : memref<1x128x128xf32, #tpu.memory_space<vmem>> -> memref<128x128xf32, #tpu.memory_space<vmem>>
      %dma_start3A_180 = arith.constant 0 : i32
      %dma_start3A_181 = tpu.memref_slice %arg6[%add3A_174, %dma_start3A_180] : memref<98304x128xf32, #tpu.memory_space<hbm>> -> memref<128x128xf32, #tpu.memory_space<hbm>>
      %dma_start3A_182 = arith.constant 0 : i32
      %dma_start3A_183 = tpu.memref_slice %arg6[%add3A_174, %dma_start3A_182] : memref<98304x128xf32, #tpu.memory_space<hbm>> -> memref<128x128xf32, #tpu.memory_space<hbm>>
      %dma_start3A_184 = arith.constant 0 : i32
      %dma_start3A_185 = arith.constant 0 : i32
      %dma_start3A_186 = tpu.memref_slice %arg8[%dma_start3A_175, %dma_start3A_184, %dma_start3A_185] : memref<4x128x128xf32, #tpu.memory_space<vmem>> -> memref<1x128x128xf32, #tpu.memory_space<vmem>>
      %dma_start3A_187 = tpu.memref_squeeze %dma_start3A_186 : memref<1x128x128xf32, #tpu.memory_space<vmem>> -> memref<128x128xf32, #tpu.memory_space<vmem>>
      tpu.enqueue_dma source(%dma_start3A_187 : memref<128x128xf32, #tpu.memory_space<vmem>>) target(%dma_start3A_183 : memref<128x128xf32, #tpu.memory_space<hbm>>) target_semaphore(%arg10 : memref<!tpu.dma_semaphore, #tpu.memory_space<semaphore_mem>>)
      %dma_wait3A_188 = arith.constant 3 : i32
      %dma_wait3A_189 = arith.constant 0 : i32
      %dma_wait3A_190 = arith.constant 0 : i32
      %dma_wait3A_191 = tpu.memref_slice %arg8[%dma_wait3A_188, %dma_wait3A_189, %dma_wait3A_190] : memref<4x128x128xf32, #tpu.memory_space<vmem>> -> memref<1x128x128xf32, #tpu.memory_space<vmem>>
      %dma_wait3A_192 = tpu.memref_squeeze %dma_wait3A_191 : memref<1x128x128xf32, #tpu.memory_space<vmem>> -> memref<128x128xf32, #tpu.memory_space<vmem>>
      %dma_wait3A_193 = arith.constant 0 : i32
      %dma_wait3A_194 = tpu.memref_slice %arg7[%add3A_84, %dma_wait3A_193] : memref<8x128xi32, #tpu.memory_space<vmem>> -> memref<1x128xi32, #tpu.memory_space<vmem>>
      %dma_wait3A_195 = tpu.memref_squeeze %dma_wait3A_194 : memref<1x128xi32, #tpu.memory_space<vmem>> -> memref<128xi32, #tpu.memory_space<vmem>>
      %dma_wait3A_196 = arith.constant 0 : i32
      %dma_wait3A_197 = arith.constant 0 : i32
      %dma_wait3A_198 = tpu.memref_slice %arg5[%dma_wait3A_196, %dma_wait3A_197] : memref<1024x128xf32, #tpu.memory_space<hbm>> -> memref<1024x128xf32, #tpu.memory_space<hbm>>
      tpu.wait_indirect_dma semaphore(%arg9 : memref<!tpu.dma_semaphore, #tpu.memory_space<semaphore_mem>>) src(%dma_wait3A_198 : memref<1024x128xf32, #tpu.memory_space<hbm>>) dst(%dma_wait3A_192 : memref<128x128xf32, #tpu.memory_space<vmem>>)
      %mul3A_199 = arith.constant 4 : i32
      %mul3A_200 = arith.muli %scan3A_36, %mul3A_199 : i32
      %add3A_201 = arith.constant 3 : i32
      %add3A_202 = arith.addi %mul3A_200, %add3A_201 : i32
      %mul3A_203 = arith.constant 128 : i32
      %mul3A_204 = arith.muli %add3A_202, %mul3A_203 : i32
      %add3A_205 = arith.addi %add3A_27, %mul3A_204 : i32
      %dma_start3A_206 = arith.constant 3 : i32
      %dma_start3A_207 = arith.constant 0 : i32
      %dma_start3A_208 = arith.constant 0 : i32
      %dma_start3A_209 = tpu.memref_slice %arg8[%dma_start3A_206, %dma_start3A_207, %dma_start3A_208] : memref<4x128x128xf32, #tpu.memory_space<vmem>> -> memref<1x128x128xf32, #tpu.memory_space<vmem>>
      %dma_start3A_210 = tpu.memref_squeeze %dma_start3A_209 : memref<1x128x128xf32, #tpu.memory_space<vmem>> -> memref<128x128xf32, #tpu.memory_space<vmem>>
      %dma_start3A_211 = arith.constant 0 : i32
      %dma_start3A_212 = tpu.memref_slice %arg6[%add3A_205, %dma_start3A_211] : memref<98304x128xf32, #tpu.memory_space<hbm>> -> memref<128x128xf32, #tpu.memory_space<hbm>>
      %dma_start3A_213 = arith.constant 0 : i32
      %dma_start3A_214 = tpu.memref_slice %arg6[%add3A_205, %dma_start3A_213] : memref<98304x128xf32, #tpu.memory_space<hbm>> -> memref<128x128xf32, #tpu.memory_space<hbm>>
      %dma_start3A_215 = arith.constant 0 : i32
      %dma_start3A_216 = arith.constant 0 : i32
      %dma_start3A_217 = tpu.memref_slice %arg8[%dma_start3A_206, %dma_start3A_215, %dma_start3A_216] : memref<4x128x128xf32, #tpu.memory_space<vmem>> -> memref<1x128x128xf32, #tpu.memory_space<vmem>>
      %dma_start3A_218 = tpu.memref_squeeze %dma_start3A_217 : memref<1x128x128xf32, #tpu.memory_space<vmem>> -> memref<128x128xf32, #tpu.memory_space<vmem>>
      tpu.enqueue_dma source(%dma_start3A_218 : memref<128x128xf32, #tpu.memory_space<vmem>>) target(%dma_start3A_214 : memref<128x128xf32, #tpu.memory_space<hbm>>) target_semaphore(%arg10 : memref<!tpu.dma_semaphore, #tpu.memory_space<semaphore_mem>>)
      %dma_wait3A_219 = arith.constant 0 : i32
      %dma_wait3A_220 = arith.constant 0 : i32
      %dma_wait3A_221 = arith.constant 0 : i32
      %dma_wait3A_222 = tpu.memref_slice %arg8[%dma_wait3A_219, %dma_wait3A_220, %dma_wait3A_221] : memref<4x128x128xf32, #tpu.memory_space<vmem>> -> memref<1x128x128xf32, #tpu.memory_space<vmem>>
      %dma_wait3A_223 = tpu.memref_squeeze %dma_wait3A_222 : memref<1x128x128xf32, #tpu.memory_space<vmem>> -> memref<128x128xf32, #tpu.memory_space<vmem>>
      %dma_wait3A_224 = arith.constant 0 : i32
      %dma_wait3A_225 = tpu.memref_slice %arg6[%add3A_112, %dma_wait3A_224] : memref<98304x128xf32, #tpu.memory_space<hbm>> -> memref<128x128xf32, #tpu.memory_space<hbm>>
      %dma_wait3A_226 = arith.constant 0 : i32
      %dma_wait3A_227 = tpu.memref_slice %arg6[%add3A_112, %dma_wait3A_226] : memref<98304x128xf32, #tpu.memory_space<hbm>> -> memref<128x128xf32, #tpu.memory_space<hbm>>
      %dma_wait3A_228 = arith.constant 0 : i32
      %dma_wait3A_229 = arith.constant 0 : i32
      %dma_wait3A_230 = tpu.memref_slice %arg8[%dma_wait3A_219, %dma_wait3A_228, %dma_wait3A_229] : memref<4x128x128xf32, #tpu.memory_space<vmem>> -> memref<1x128x128xf32, #tpu.memory_space<vmem>>
      %dma_wait3A_231 = tpu.memref_squeeze %dma_wait3A_230 : memref<1x128x128xf32, #tpu.memory_space<vmem>> -> memref<128x128xf32, #tpu.memory_space<vmem>>
      tpu.wait_dma2 semaphore(%arg10 : memref<!tpu.dma_semaphore, #tpu.memory_space<semaphore_mem>>) src(%dma_wait3A_231 : memref<128x128xf32, #tpu.memory_space<vmem>>) dst(%dma_wait3A_227 : memref<128x128xf32, #tpu.memory_space<hbm>>)
      %dma_wait3A_232 = arith.constant 1 : i32
      %dma_wait3A_233 = arith.constant 0 : i32
      %dma_wait3A_234 = arith.constant 0 : i32
      %dma_wait3A_235 = tpu.memref_slice %arg8[%dma_wait3A_232, %dma_wait3A_233, %dma_wait3A_234] : memref<4x128x128xf32, #tpu.memory_space<vmem>> -> memref<1x128x128xf32, #tpu.memory_space<vmem>>
      %dma_wait3A_236 = tpu.memref_squeeze %dma_wait3A_235 : memref<1x128x128xf32, #tpu.memory_space<vmem>> -> memref<128x128xf32, #tpu.memory_space<vmem>>
      %dma_wait3A_237 = arith.constant 0 : i32
      %dma_wait3A_238 = tpu.memref_slice %arg6[%add3A_143, %dma_wait3A_237] : memref<98304x128xf32, #tpu.memory_space<hbm>> -> memref<128x128xf32, #tpu.memory_space<hbm>>
      %dma_wait3A_239 = arith.constant 0 : i32
      %dma_wait3A_240 = tpu.memref_slice %arg6[%add3A_143, %dma_wait3A_239] : memref<98304x128xf32, #tpu.memory_space<hbm>> -> memref<128x128xf32, #tpu.memory_space<hbm>>
      %dma_wait3A_241 = arith.constant 0 : i32
      %dma_wait3A_242 = arith.constant 0 : i32
      %dma_wait3A_243 = tpu.memref_slice %arg8[%dma_wait3A_232, %dma_wait3A_241, %dma_wait3A_242] : memref<4x128x128xf32, #tpu.memory_space<vmem>> -> memref<1x128x128xf32, #tpu.memory_space<vmem>>
      %dma_wait3A_244 = tpu.memref_squeeze %dma_wait3A_243 : memref<1x128x128xf32, #tpu.memory_space<vmem>> -> memref<128x128xf32, #tpu.memory_space<vmem>>
      tpu.wait_dma2 semaphore(%arg10 : memref<!tpu.dma_semaphore, #tpu.memory_space<semaphore_mem>>) src(%dma_wait3A_244 : memref<128x128xf32, #tpu.memory_space<vmem>>) dst(%dma_wait3A_240 : memref<128x128xf32, #tpu.memory_space<hbm>>)
      %dma_wait3A_245 = arith.constant 2 : i32
      %dma_wait3A_246 = arith.constant 0 : i32
      %dma_wait3A_247 = arith.constant 0 : i32
      %dma_wait3A_248 = tpu.memref_slice %arg8[%dma_wait3A_245, %dma_wait3A_246, %dma_wait3A_247] : memref<4x128x128xf32, #tpu.memory_space<vmem>> -> memref<1x128x128xf32, #tpu.memory_space<vmem>>
      %dma_wait3A_249 = tpu.memref_squeeze %dma_wait3A_248 : memref<1x128x128xf32, #tpu.memory_space<vmem>> -> memref<128x128xf32, #tpu.memory_space<vmem>>
      %dma_wait3A_250 = arith.constant 0 : i32
      %dma_wait3A_251 = tpu.memref_slice %arg6[%add3A_174, %dma_wait3A_250] : memref<98304x128xf32, #tpu.memory_space<hbm>> -> memref<128x128xf32, #tpu.memory_space<hbm>>
      %dma_wait3A_252 = arith.constant 0 : i32
      %dma_wait3A_253 = tpu.memref_slice %arg6[%add3A_174, %dma_wait3A_252] : memref<98304x128xf32, #tpu.memory_space<hbm>> -> memref<128x128xf32, #tpu.memory_space<hbm>>
      %dma_wait3A_254 = arith.constant 0 : i32
      %dma_wait3A_255 = arith.constant 0 : i32
      %dma_wait3A_256 = tpu.memref_slice %arg8[%dma_wait3A_245, %dma_wait3A_254, %dma_wait3A_255] : memref<4x128x128xf32, #tpu.memory_space<vmem>> -> memref<1x128x128xf32, #tpu.memory_space<vmem>>
      %dma_wait3A_257 = tpu.memref_squeeze %dma_wait3A_256 : memref<1x128x128xf32, #tpu.memory_space<vmem>> -> memref<128x128xf32, #tpu.memory_space<vmem>>
      tpu.wait_dma2 semaphore(%arg10 : memref<!tpu.dma_semaphore, #tpu.memory_space<semaphore_mem>>) src(%dma_wait3A_257 : memref<128x128xf32, #tpu.memory_space<vmem>>) dst(%dma_wait3A_253 : memref<128x128xf32, #tpu.memory_space<hbm>>)
      %dma_wait3A_258 = arith.constant 3 : i32
      %dma_wait3A_259 = arith.constant 0 : i32
      %dma_wait3A_260 = arith.constant 0 : i32
      %dma_wait3A_261 = tpu.memref_slice %arg8[%dma_wait3A_258, %dma_wait3A_259, %dma_wait3A_260] : memref<4x128x128xf32, #tpu.memory_space<vmem>> -> memref<1x128x128xf32, #tpu.memory_space<vmem>>
      %dma_wait3A_262 = tpu.memref_squeeze %dma_wait3A_261 : memref<1x128x128xf32, #tpu.memory_space<vmem>> -> memref<128x128xf32, #tpu.memory_space<vmem>>
      %dma_wait3A_263 = arith.constant 0 : i32
      %dma_wait3A_264 = tpu.memref_slice %arg6[%add3A_205, %dma_wait3A_263] : memref<98304x128xf32, #tpu.memory_space<hbm>> -> memref<128x128xf32, #tpu.memory_space<hbm>>
      %dma_wait3A_265 = arith.constant 0 : i32
      %dma_wait3A_266 = tpu.memref_slice %arg6[%add3A_205, %dma_wait3A_265] : memref<98304x128xf32, #tpu.memory_space<hbm>> -> memref<128x128xf32, #tpu.memory_space<hbm>>
      %dma_wait3A_267 = arith.constant 0 : i32
      %dma_wait3A_268 = arith.constant 0 : i32
      %dma_wait3A_269 = tpu.memref_slice %arg8[%dma_wait3A_258, %dma_wait3A_267, %dma_wait3A_268] : memref<4x128x128xf32, #tpu.memory_space<vmem>> -> memref<1x128x128xf32, #tpu.memory_space<vmem>>
      %dma_wait3A_270 = tpu.memref_squeeze %dma_wait3A_269 : memref<1x128x128xf32, #tpu.memory_space<vmem>> -> memref<128x128xf32, #tpu.memory_space<vmem>>
      tpu.wait_dma2 semaphore(%arg10 : memref<!tpu.dma_semaphore, #tpu.memory_space<semaphore_mem>>) src(%dma_wait3A_270 : memref<128x128xf32, #tpu.memory_space<vmem>>) dst(%dma_wait3A_266 : memref<128x128xf32, #tpu.memory_space<hbm>>)
    }
    %scan3A_35 = arith.constant 2 : i32
    return
  }
}

module attributes {stable_mosaic.version = 14 : i64} {
  func.func @_codes_kernel(%arg0: i32, %arg1: i32, %arg2: memref<1x128x512xf32, #tpu.memory_space<vmem>>, %arg3: memref<1024x128xf32, #tpu.memory_space<vmem>>, %arg4: memref<1x1x512xi32, #tpu.memory_space<vmem>>) attributes {dimension_semantics = [#tpu.dimension_semantics<arbitrary>, #tpu.dimension_semantics<arbitrary>], iteration_bounds = array<i64: 8, 8>, scalar_prefetch = 0 : i64, scratch_operands = 0 : i64, tpu.core_type = #tpu.core_type<tc>, window_params = [{transform_indices = @transform_0, window_bounds = array<i64: 1, 128, 512>}, {pipeline_mode = #tpu.pipeline_mode<synchronous>, transform_indices = @transform_1, window_bounds = array<i64: 1024, 128>}, {transform_indices = @transform_2, window_bounds = array<i64: 1, 1, 512>}]} {
    %get3A = arith.constant 0 : index
    %get3A_0 = arith.constant 0 : index
    %get3A_1 = arith.constant 0 : index
    %get3A_2 = vector.load %arg2[%get3A, %get3A_0, %get3A_1] : memref<1x128x512xf32, #tpu.memory_space<vmem>>, vector<1x128x512xf32>
    %get3A_3 = vector.shape_cast %get3A_2 : vector<1x128x512xf32> to vector<128x512xf32>
    %get3A_4 = arith.constant 0 : index
    %get3A_5 = arith.constant 0 : index
    %get3A_6 = vector.load %arg3[%get3A_4, %get3A_5] : memref<1024x128xf32, #tpu.memory_space<vmem>>, vector<1024x128xf32>
    %mul3A = arith.constant -2.000000e+00 : f32
    %mul3A_7 = vector.broadcast %mul3A : f32 to vector<128x512xf32>
    %mul3A_8 = arith.mulf %get3A_3, %mul3A_7 : vector<128x512xf32>
    %dot_general3A = arith.constant dense<0.000000e+00> : vector<1024x512xf32>
    %dot_general3A_9 = tpu.matmul %get3A_6, %mul3A_8, %dot_general3A {dimension_numbers = #tpu.dot_dimension_numbers<[1], [0], [0], [1], [0, 0, 1, 1], [], []>, transpose_lhs_hint = false} : vector<1024x128xf32>, vector<128x512xf32>, vector<1024x512xf32> -> vector<1024x512xf32>
    %mul3A_10 = arith.mulf %get3A_6, %get3A_6 : vector<1024x128xf32>
    %reduce_sum3A = arith.constant dense<0.000000e+00> : vector<1024xf32>
    %reduce_sum3A_11 = vector.multi_reduction <add>, %mul3A_10, %reduce_sum3A [1] : vector<1024x128xf32> to vector<1024xf32>
    %broadcast_in_dim3A = vector.shape_cast %reduce_sum3A_11 : vector<1024xf32> to vector<1024x1xf32>
    %add3A = vector.broadcast %broadcast_in_dim3A : vector<1024x1xf32> to vector<1024x512xf32>
    %add3A_12 = arith.addf %dot_general3A_9, %add3A : vector<1024x512xf32>
    %iota3A = tpu.iota {dimensions = array<i32: 0>} : vector<1024x512xi32>
    %slice3A = vector.extract_strided_slice %add3A_12 {offsets = [0, 0], sizes = [512, 512], strides = [1, 1]} : vector<1024x512xf32> to vector<512x512xf32>
    %slice3A_13 = vector.extract_strided_slice %add3A_12 {offsets = [512, 0], sizes = [512, 512], strides = [1, 1]} : vector<1024x512xf32> to vector<512x512xf32>
    %le3A = arith.cmpf ole, %slice3A, %slice3A_13 : vector<512x512xf32>
    %select_n3A = arith.select %le3A, %slice3A, %slice3A_13 : vector<512x512xi1>, vector<512x512xf32>
    %slice3A_14 = vector.extract_strided_slice %iota3A {offsets = [0, 0], sizes = [512, 512], strides = [1, 1]} : vector<1024x512xi32> to vector<512x512xi32>
    %slice3A_15 = vector.extract_strided_slice %iota3A {offsets = [512, 0], sizes = [512, 512], strides = [1, 1]} : vector<1024x512xi32> to vector<512x512xi32>
    %select_n3A_16 = arith.select %le3A, %slice3A_14, %slice3A_15 : vector<512x512xi1>, vector<512x512xi32>
    %slice3A_17 = vector.extract_strided_slice %select_n3A {offsets = [0, 0], sizes = [256, 512], strides = [1, 1]} : vector<512x512xf32> to vector<256x512xf32>
    %slice3A_18 = vector.extract_strided_slice %select_n3A {offsets = [256, 0], sizes = [256, 512], strides = [1, 1]} : vector<512x512xf32> to vector<256x512xf32>
    %le3A_19 = arith.cmpf ole, %slice3A_17, %slice3A_18 : vector<256x512xf32>
    %select_n3A_20 = arith.select %le3A_19, %slice3A_17, %slice3A_18 : vector<256x512xi1>, vector<256x512xf32>
    %slice3A_21 = vector.extract_strided_slice %select_n3A_16 {offsets = [0, 0], sizes = [256, 512], strides = [1, 1]} : vector<512x512xi32> to vector<256x512xi32>
    %slice3A_22 = vector.extract_strided_slice %select_n3A_16 {offsets = [256, 0], sizes = [256, 512], strides = [1, 1]} : vector<512x512xi32> to vector<256x512xi32>
    %select_n3A_23 = arith.select %le3A_19, %slice3A_21, %slice3A_22 : vector<256x512xi1>, vector<256x512xi32>
    %slice3A_24 = vector.extract_strided_slice %select_n3A_20 {offsets = [0, 0], sizes = [128, 512], strides = [1, 1]} : vector<256x512xf32> to vector<128x512xf32>
    %slice3A_25 = vector.extract_strided_slice %select_n3A_20 {offsets = [128, 0], sizes = [128, 512], strides = [1, 1]} : vector<256x512xf32> to vector<128x512xf32>
    %le3A_26 = arith.cmpf ole, %slice3A_24, %slice3A_25 : vector<128x512xf32>
    %select_n3A_27 = arith.select %le3A_26, %slice3A_24, %slice3A_25 : vector<128x512xi1>, vector<128x512xf32>
    %slice3A_28 = vector.extract_strided_slice %select_n3A_23 {offsets = [0, 0], sizes = [128, 512], strides = [1, 1]} : vector<256x512xi32> to vector<128x512xi32>
    %slice3A_29 = vector.extract_strided_slice %select_n3A_23 {offsets = [128, 0], sizes = [128, 512], strides = [1, 1]} : vector<256x512xi32> to vector<128x512xi32>
    %select_n3A_30 = arith.select %le3A_26, %slice3A_28, %slice3A_29 : vector<128x512xi1>, vector<128x512xi32>
    %slice3A_31 = vector.extract_strided_slice %select_n3A_27 {offsets = [0, 0], sizes = [64, 512], strides = [1, 1]} : vector<128x512xf32> to vector<64x512xf32>
    %slice3A_32 = vector.extract_strided_slice %select_n3A_27 {offsets = [64, 0], sizes = [64, 512], strides = [1, 1]} : vector<128x512xf32> to vector<64x512xf32>
    %le3A_33 = arith.cmpf ole, %slice3A_31, %slice3A_32 : vector<64x512xf32>
    %select_n3A_34 = arith.select %le3A_33, %slice3A_31, %slice3A_32 : vector<64x512xi1>, vector<64x512xf32>
    %slice3A_35 = vector.extract_strided_slice %select_n3A_30 {offsets = [0, 0], sizes = [64, 512], strides = [1, 1]} : vector<128x512xi32> to vector<64x512xi32>
    %slice3A_36 = vector.extract_strided_slice %select_n3A_30 {offsets = [64, 0], sizes = [64, 512], strides = [1, 1]} : vector<128x512xi32> to vector<64x512xi32>
    %select_n3A_37 = arith.select %le3A_33, %slice3A_35, %slice3A_36 : vector<64x512xi1>, vector<64x512xi32>
    %slice3A_38 = vector.extract_strided_slice %select_n3A_34 {offsets = [0, 0], sizes = [32, 512], strides = [1, 1]} : vector<64x512xf32> to vector<32x512xf32>
    %slice3A_39 = vector.extract_strided_slice %select_n3A_34 {offsets = [32, 0], sizes = [32, 512], strides = [1, 1]} : vector<64x512xf32> to vector<32x512xf32>
    %le3A_40 = arith.cmpf ole, %slice3A_38, %slice3A_39 : vector<32x512xf32>
    %select_n3A_41 = arith.select %le3A_40, %slice3A_38, %slice3A_39 : vector<32x512xi1>, vector<32x512xf32>
    %slice3A_42 = vector.extract_strided_slice %select_n3A_37 {offsets = [0, 0], sizes = [32, 512], strides = [1, 1]} : vector<64x512xi32> to vector<32x512xi32>
    %slice3A_43 = vector.extract_strided_slice %select_n3A_37 {offsets = [32, 0], sizes = [32, 512], strides = [1, 1]} : vector<64x512xi32> to vector<32x512xi32>
    %select_n3A_44 = arith.select %le3A_40, %slice3A_42, %slice3A_43 : vector<32x512xi1>, vector<32x512xi32>
    %slice3A_45 = vector.extract_strided_slice %select_n3A_41 {offsets = [0, 0], sizes = [16, 512], strides = [1, 1]} : vector<32x512xf32> to vector<16x512xf32>
    %slice3A_46 = vector.extract_strided_slice %select_n3A_41 {offsets = [16, 0], sizes = [16, 512], strides = [1, 1]} : vector<32x512xf32> to vector<16x512xf32>
    %le3A_47 = arith.cmpf ole, %slice3A_45, %slice3A_46 : vector<16x512xf32>
    %select_n3A_48 = arith.select %le3A_47, %slice3A_45, %slice3A_46 : vector<16x512xi1>, vector<16x512xf32>
    %slice3A_49 = vector.extract_strided_slice %select_n3A_44 {offsets = [0, 0], sizes = [16, 512], strides = [1, 1]} : vector<32x512xi32> to vector<16x512xi32>
    %slice3A_50 = vector.extract_strided_slice %select_n3A_44 {offsets = [16, 0], sizes = [16, 512], strides = [1, 1]} : vector<32x512xi32> to vector<16x512xi32>
    %select_n3A_51 = arith.select %le3A_47, %slice3A_49, %slice3A_50 : vector<16x512xi1>, vector<16x512xi32>
    %slice3A_52 = vector.extract_strided_slice %select_n3A_48 {offsets = [0, 0], sizes = [8, 512], strides = [1, 1]} : vector<16x512xf32> to vector<8x512xf32>
    %slice3A_53 = vector.extract_strided_slice %select_n3A_48 {offsets = [8, 0], sizes = [8, 512], strides = [1, 1]} : vector<16x512xf32> to vector<8x512xf32>
    %le3A_54 = arith.cmpf ole, %slice3A_52, %slice3A_53 : vector<8x512xf32>
    %select_n3A_55 = arith.select %le3A_54, %slice3A_52, %slice3A_53 : vector<8x512xi1>, vector<8x512xf32>
    %slice3A_56 = vector.extract_strided_slice %select_n3A_51 {offsets = [0, 0], sizes = [8, 512], strides = [1, 1]} : vector<16x512xi32> to vector<8x512xi32>
    %slice3A_57 = vector.extract_strided_slice %select_n3A_51 {offsets = [8, 0], sizes = [8, 512], strides = [1, 1]} : vector<16x512xi32> to vector<8x512xi32>
    %select_n3A_58 = arith.select %le3A_54, %slice3A_56, %slice3A_57 : vector<8x512xi1>, vector<8x512xi32>
    %reduce_min3A = arith.constant dense<0x7F800000> : vector<512xf32>
    %reduce_min3A_59 = vector.multi_reduction <minimumf>, %select_n3A_55, %reduce_min3A [0] : vector<8x512xf32> to vector<512xf32>
    %broadcast_in_dim3A_60 = vector.shape_cast %reduce_min3A_59 : vector<512xf32> to vector<1x512xf32>
    %eq3A = vector.broadcast %broadcast_in_dim3A_60 : vector<1x512xf32> to vector<8x512xf32>
    %eq3A_61 = arith.cmpf oeq, %select_n3A_55, %eq3A : vector<8x512xf32>
    %jit3A = arith.constant 1024 : i32
    %broadcast_in_dim3A_62 = vector.broadcast %jit3A : i32 to vector<8x512xi32>
    %select_n3A_63 = arith.select %eq3A_61, %select_n3A_58, %broadcast_in_dim3A_62 : vector<8x512xi1>, vector<8x512xi32>
    %reduce_min3A_64 = arith.constant dense<2147483647> : vector<512xi32>
    %reduce_min3A_65 = vector.multi_reduction <minsi>, %select_n3A_63, %reduce_min3A_64 [0] : vector<8x512xi32> to vector<512xi32>
    %swap3A = arith.constant 0 : index
    %swap3A_66 = arith.constant 0 : index
    %swap3A_67 = arith.constant 0 : index
    %swap3A_68 = vector.load %arg4[%swap3A, %swap3A_66, %swap3A_67] : memref<1x1x512xi32, #tpu.memory_space<vmem>>, vector<1x1x512xi32>
    %swap3A_69 = vector.shape_cast %swap3A_68 : vector<1x1x512xi32> to vector<512xi32>
    %swap3A_70 = vector.shape_cast %reduce_min3A_65 : vector<512xi32> to vector<1x1x512xi32>
    tpu.vector_store %arg4[%swap3A, %swap3A_66, %swap3A_67], %swap3A_70 {strides = array<i32>} : memref<1x1x512xi32, #tpu.memory_space<vmem>>, vector<1x1x512xi32>,
    return
  }
  func.func @transform_0(%arg0: i32, %arg1: i32) -> (i32, i32, i32) {
    %add3A = arith.constant 0 : i32
    %add3A_0 = arith.addi %arg0, %add3A : i32
    %c0_i32 = arith.constant 0 : i32
    %c0_i32_1 = arith.constant 0 : i32
    return %add3A_0, %c0_i32, %arg1 : i32, i32, i32
  }
  func.func @transform_1(%arg0: i32, %arg1: i32) -> (i32, i32) {
    %c0_i32 = arith.constant 0 : i32
    %c0_i32_0 = arith.constant 0 : i32
    %c0_i32_1 = arith.constant 0 : i32
    return %c0_i32, %c0_i32_0 : i32, i32
  }
  func.func @transform_2(%arg0: i32, %arg1: i32) -> (i32, i32, i32) {
    %c0_i32 = arith.constant 0 : i32
    %c0_i32_0 = arith.constant 0 : i32
    return %arg0, %c0_i32, %arg1 : i32, i32, i32
  }
}

module attributes {stable_mosaic.version = 14 : i64} {
  func.func @_codes_kernel(%arg0: i32, %arg1: i32, %arg2: memref<1x128x512xf32, #tpu.memory_space<vmem>>, %arg3: memref<1024x128xf32, #tpu.memory_space<vmem>>, %arg4: memref<1x1x512xi32, #tpu.memory_space<vmem>>) attributes {dimension_semantics = [#tpu.dimension_semantics<arbitrary>, #tpu.dimension_semantics<arbitrary>], iteration_bounds = array<i64: 8, 8>, scalar_prefetch = 0 : i64, scratch_operands = 0 : i64, tpu.core_type = #tpu.core_type<tc>, window_params = [{transform_indices = @transform_0, window_bounds = array<i64: 1, 128, 512>}, {pipeline_mode = #tpu.pipeline_mode<synchronous>, transform_indices = @transform_1, window_bounds = array<i64: 1024, 128>}, {transform_indices = @transform_2, window_bounds = array<i64: 1, 1, 512>}]} {
    %get3A = arith.constant 0 : index
    %get3A_0 = arith.constant 0 : index
    %get3A_1 = arith.constant 0 : index
    %get3A_2 = vector.load %arg2[%get3A, %get3A_0, %get3A_1] : memref<1x128x512xf32, #tpu.memory_space<vmem>>, vector<1x128x512xf32>
    %get3A_3 = vector.shape_cast %get3A_2 : vector<1x128x512xf32> to vector<128x512xf32>
    %get3A_4 = arith.constant 0 : index
    %get3A_5 = arith.constant 0 : index
    %get3A_6 = vector.load %arg3[%get3A_4, %get3A_5] : memref<1024x128xf32, #tpu.memory_space<vmem>>, vector<1024x128xf32>
    %mul3A = arith.constant -2.000000e+00 : f32
    %mul3A_7 = vector.broadcast %mul3A : f32 to vector<128x512xf32>
    %mul3A_8 = arith.mulf %get3A_3, %mul3A_7 : vector<128x512xf32>
    %dot_general3A = arith.constant dense<0.000000e+00> : vector<1024x512xf32>
    %dot_general3A_9 = tpu.matmul %get3A_6, %mul3A_8, %dot_general3A {dimension_numbers = #tpu.dot_dimension_numbers<[1], [0], [0], [1], [0, 0, 1, 1], [], []>, transpose_lhs_hint = false} : vector<1024x128xf32>, vector<128x512xf32>, vector<1024x512xf32> -> vector<1024x512xf32>
    %mul3A_10 = arith.mulf %get3A_6, %get3A_6 : vector<1024x128xf32>
    %reduce_sum3A = arith.constant dense<0.000000e+00> : vector<1024xf32>
    %reduce_sum3A_11 = vector.multi_reduction <add>, %mul3A_10, %reduce_sum3A [1] : vector<1024x128xf32> to vector<1024xf32>
    %broadcast_in_dim3A = vector.shape_cast %reduce_sum3A_11 : vector<1024xf32> to vector<1024x1xf32>
    %add3A = vector.broadcast %broadcast_in_dim3A : vector<1024x1xf32> to vector<1024x512xf32>
    %add3A_12 = arith.addf %dot_general3A_9, %add3A : vector<1024x512xf32>
    %iota3A = tpu.iota {dimensions = array<i32: 0>} : vector<1024x512xi32>
    %slice3A = vector.extract_strided_slice %add3A_12 {offsets = [0, 0], sizes = [512, 512], strides = [1, 1]} : vector<1024x512xf32> to vector<512x512xf32>
    %slice3A_13 = vector.extract_strided_slice %add3A_12 {offsets = [512, 0], sizes = [512, 512], strides = [1, 1]} : vector<1024x512xf32> to vector<512x512xf32>
    %le3A = arith.cmpf ole, %slice3A, %slice3A_13 : vector<512x512xf32>
    %select_n3A = arith.select %le3A, %slice3A, %slice3A_13 : vector<512x512xi1>, vector<512x512xf32>
    %slice3A_14 = vector.extract_strided_slice %iota3A {offsets = [0, 0], sizes = [512, 512], strides = [1, 1]} : vector<1024x512xi32> to vector<512x512xi32>
    %slice3A_15 = vector.extract_strided_slice %iota3A {offsets = [512, 0], sizes = [512, 512], strides = [1, 1]} : vector<1024x512xi32> to vector<512x512xi32>
    %select_n3A_16 = arith.select %le3A, %slice3A_14, %slice3A_15 : vector<512x512xi1>, vector<512x512xi32>
    %slice3A_17 = vector.extract_strided_slice %select_n3A {offsets = [0, 0], sizes = [256, 512], strides = [1, 1]} : vector<512x512xf32> to vector<256x512xf32>
    %slice3A_18 = vector.extract_strided_slice %select_n3A {offsets = [256, 0], sizes = [256, 512], strides = [1, 1]} : vector<512x512xf32> to vector<256x512xf32>
    %le3A_19 = arith.cmpf ole, %slice3A_17, %slice3A_18 : vector<256x512xf32>
    %select_n3A_20 = arith.select %le3A_19, %slice3A_17, %slice3A_18 : vector<256x512xi1>, vector<256x512xf32>
    %slice3A_21 = vector.extract_strided_slice %select_n3A_16 {offsets = [0, 0], sizes = [256, 512], strides = [1, 1]} : vector<512x512xi32> to vector<256x512xi32>
    %slice3A_22 = vector.extract_strided_slice %select_n3A_16 {offsets = [256, 0], sizes = [256, 512], strides = [1, 1]} : vector<512x512xi32> to vector<256x512xi32>
    %select_n3A_23 = arith.select %le3A_19, %slice3A_21, %slice3A_22 : vector<256x512xi1>, vector<256x512xi32>
    %slice3A_24 = vector.extract_strided_slice %select_n3A_20 {offsets = [0, 0], sizes = [128, 512], strides = [1, 1]} : vector<256x512xf32> to vector<128x512xf32>
    %slice3A_25 = vector.extract_strided_slice %select_n3A_20 {offsets = [128, 0], sizes = [128, 512], strides = [1, 1]} : vector<256x512xf32> to vector<128x512xf32>
    %le3A_26 = arith.cmpf ole, %slice3A_24, %slice3A_25 : vector<128x512xf32>
    %select_n3A_27 = arith.select %le3A_26, %slice3A_24, %slice3A_25 : vector<128x512xi1>, vector<128x512xf32>
    %slice3A_28 = vector.extract_strided_slice %select_n3A_23 {offsets = [0, 0], sizes = [128, 512], strides = [1, 1]} : vector<256x512xi32> to vector<128x512xi32>
    %slice3A_29 = vector.extract_strided_slice %select_n3A_23 {offsets = [128, 0], sizes = [128, 512], strides = [1, 1]} : vector<256x512xi32> to vector<128x512xi32>
    %select_n3A_30 = arith.select %le3A_26, %slice3A_28, %slice3A_29 : vector<128x512xi1>, vector<128x512xi32>
    %slice3A_31 = vector.extract_strided_slice %select_n3A_27 {offsets = [0, 0], sizes = [64, 512], strides = [1, 1]} : vector<128x512xf32> to vector<64x512xf32>
    %slice3A_32 = vector.extract_strided_slice %select_n3A_27 {offsets = [64, 0], sizes = [64, 512], strides = [1, 1]} : vector<128x512xf32> to vector<64x512xf32>
    %le3A_33 = arith.cmpf ole, %slice3A_31, %slice3A_32 : vector<64x512xf32>
    %select_n3A_34 = arith.select %le3A_33, %slice3A_31, %slice3A_32 : vector<64x512xi1>, vector<64x512xf32>
    %slice3A_35 = vector.extract_strided_slice %select_n3A_30 {offsets = [0, 0], sizes = [64, 512], strides = [1, 1]} : vector<128x512xi32> to vector<64x512xi32>
    %slice3A_36 = vector.extract_strided_slice %select_n3A_30 {offsets = [64, 0], sizes = [64, 512], strides = [1, 1]} : vector<128x512xi32> to vector<64x512xi32>
    %select_n3A_37 = arith.select %le3A_33, %slice3A_35, %slice3A_36 : vector<64x512xi1>, vector<64x512xi32>
    %slice3A_38 = vector.extract_strided_slice %select_n3A_34 {offsets = [0, 0], sizes = [32, 512], strides = [1, 1]} : vector<64x512xf32> to vector<32x512xf32>
    %slice3A_39 = vector.extract_strided_slice %select_n3A_34 {offsets = [32, 0], sizes = [32, 512], strides = [1, 1]} : vector<64x512xf32> to vector<32x512xf32>
    %le3A_40 = arith.cmpf ole, %slice3A_38, %slice3A_39 : vector<32x512xf32>
    %select_n3A_41 = arith.select %le3A_40, %slice3A_38, %slice3A_39 : vector<32x512xi1>, vector<32x512xf32>
    %slice3A_42 = vector.extract_strided_slice %select_n3A_37 {offsets = [0, 0], sizes = [32, 512], strides = [1, 1]} : vector<64x512xi32> to vector<32x512xi32>
    %slice3A_43 = vector.extract_strided_slice %select_n3A_37 {offsets = [32, 0], sizes = [32, 512], strides = [1, 1]} : vector<64x512xi32> to vector<32x512xi32>
    %select_n3A_44 = arith.select %le3A_40, %slice3A_42, %slice3A_43 : vector<32x512xi1>, vector<32x512xi32>
    %slice3A_45 = vector.extract_strided_slice %select_n3A_41 {offsets = [0, 0], sizes = [16, 512], strides = [1, 1]} : vector<32x512xf32> to vector<16x512xf32>
    %slice3A_46 = vector.extract_strided_slice %select_n3A_41 {offsets = [16, 0], sizes = [16, 512], strides = [1, 1]} : vector<32x512xf32> to vector<16x512xf32>
    %le3A_47 = arith.cmpf ole, %slice3A_45, %slice3A_46 : vector<16x512xf32>
    %select_n3A_48 = arith.select %le3A_47, %slice3A_45, %slice3A_46 : vector<16x512xi1>, vector<16x512xf32>
    %slice3A_49 = vector.extract_strided_slice %select_n3A_44 {offsets = [0, 0], sizes = [16, 512], strides = [1, 1]} : vector<32x512xi32> to vector<16x512xi32>
    %slice3A_50 = vector.extract_strided_slice %select_n3A_44 {offsets = [16, 0], sizes = [16, 512], strides = [1, 1]} : vector<32x512xi32> to vector<16x512xi32>
    %select_n3A_51 = arith.select %le3A_47, %slice3A_49, %slice3A_50 : vector<16x512xi1>, vector<16x512xi32>
    %slice3A_52 = vector.extract_strided_slice %select_n3A_48 {offsets = [0, 0], sizes = [8, 512], strides = [1, 1]} : vector<16x512xf32> to vector<8x512xf32>
    %slice3A_53 = vector.extract_strided_slice %select_n3A_48 {offsets = [8, 0], sizes = [8, 512], strides = [1, 1]} : vector<16x512xf32> to vector<8x512xf32>
    %le3A_54 = arith.cmpf ole, %slice3A_52, %slice3A_53 : vector<8x512xf32>
    %select_n3A_55 = arith.select %le3A_54, %slice3A_52, %slice3A_53 : vector<8x512xi1>, vector<8x512xf32>
    %slice3A_56 = vector.extract_strided_slice %select_n3A_51 {offsets = [0, 0], sizes = [8, 512], strides = [1, 1]} : vector<16x512xi32> to vector<8x512xi32>
    %slice3A_57 = vector.extract_strided_slice %select_n3A_51 {offsets = [8, 0], sizes = [8, 512], strides = [1, 1]} : vector<16x512xi32> to vector<8x512xi32>
    %select_n3A_58 = arith.select %le3A_54, %slice3A_56, %slice3A_57 : vector<8x512xi1>, vector<8x512xi32>
    %reduce_min3A = arith.constant dense<0x7F800000> : vector<512xf32>
    %reduce_min3A_59 = vector.multi_reduction <minimumf>, %select_n3A_55, %reduce_min3A [0] : vector<8x512xf32> to vector<512xf32>
    %broadcast_in_dim3A_60 = vector.shape_cast %reduce_min3A_59 : vector<512xf32> to vector<1x512xf32>
    %eq3A = vector.broadcast %broadcast_in_dim3A_60 : vector<1x512xf32> to vector<8x512xf32>
    %eq3A_61 = arith.cmpf oeq, %select_n3A_55, %eq3A : vector<8x512xf32>
    %jit3A = arith.constant 1024 : i32
    %broadcast_in_dim3A_62 = vector.broadcast %jit3A : i32 to vector<8x512xi32>
    %select_n3A_63 = arith.select %eq3A_61, %select_n3A_58, %broadcast_in_dim3A_62 : vector<8x512xi1>, vector<8x512xi32>
    %reduce_min3A_64 = arith.constant dense<2147483647> : vector<512xi32>
    %reduce_min3A_65 = vector.multi_reduction <minsi>, %select_n3A_63, %reduce_min3A_64 [0] : vector<8x512xi32> to vector<512xi32>
    %swap3A = arith.constant 0 : index
    %swap3A_66 = arith.constant 0 : index
    %swap3A_67 = arith.constant 0 : index
    %swap3A_68 = vector.load %arg4[%swap3A, %swap3A_66, %swap3A_67] : memref<1x1x512xi32, #tpu.memory_space<vmem>>, vector<1x1x512xi32>
    %swap3A_69 = vector.shape_cast %swap3A_68 : vector<1x1x512xi32> to vector<512xi32>
    %swap3A_70 = vector.shape_cast %reduce_min3A_65 : vector<512xi32> to vector<1x1x512xi32>
    tpu.vector_store %arg4[%swap3A, %swap3A_66, %swap3A_67], %swap3A_70 {strides = array<i32>} : memref<1x1x512xi32, #tpu.memory_space<vmem>>, vector<1x1x512xi32>,
    return
  }
  func.func @transform_0(%arg0: i32, %arg1: i32) -> (i32, i32, i32) {
    %add3A = arith.constant 16 : i32
    %add3A_0 = arith.addi %arg0, %add3A : i32
    %c0_i32 = arith.constant 0 : i32
    %c0_i32_1 = arith.constant 0 : i32
    return %add3A_0, %c0_i32, %arg1 : i32, i32, i32
  }
  func.func @transform_1(%arg0: i32, %arg1: i32) -> (i32, i32) {
    %c0_i32 = arith.constant 0 : i32
    %c0_i32_0 = arith.constant 0 : i32
    %c0_i32_1 = arith.constant 0 : i32
    return %c0_i32, %c0_i32_0 : i32, i32
  }
  func.func @transform_2(%arg0: i32, %arg1: i32) -> (i32, i32, i32) {
    %c0_i32 = arith.constant 0 : i32
    %c0_i32_0 = arith.constant 0 : i32
    return %arg0, %c0_i32, %arg1 : i32, i32, i32
  }
}

module attributes {stable_mosaic.version = 14 : i64} {
  func.func @_codes_quant_kernel(%arg0: i32, %arg1: i32, %arg2: memref<1x128x512xf32, #tpu.memory_space<vmem>>, %arg3: memref<1024x128xf32, #tpu.memory_space<vmem>>, %arg4: memref<1x1x512xi32, #tpu.memory_space<vmem>>, %arg5: memref<1x512x128xf32, #tpu.memory_space<vmem>>) attributes {dimension_semantics = [#tpu.dimension_semantics<arbitrary>, #tpu.dimension_semantics<arbitrary>], iteration_bounds = array<i64: 8, 8>, scalar_prefetch = 0 : i64, scratch_operands = 0 : i64, tpu.core_type = #tpu.core_type<tc>, window_params = [{transform_indices = @transform_0, window_bounds = array<i64: 1, 128, 512>}, {pipeline_mode = #tpu.pipeline_mode<synchronous>, transform_indices = @transform_1, window_bounds = array<i64: 1024, 128>}, {transform_indices = @transform_2, window_bounds = array<i64: 1, 1, 512>}, {transform_indices = @transform_3, window_bounds = array<i64: 1, 512, 128>}]} {
    %get3A = arith.constant 0 : index
    %get3A_0 = arith.constant 0 : index
    %get3A_1 = arith.constant 0 : index
    %get3A_2 = vector.load %arg2[%get3A, %get3A_0, %get3A_1] : memref<1x128x512xf32, #tpu.memory_space<vmem>>, vector<1x128x512xf32>
    %get3A_3 = vector.shape_cast %get3A_2 : vector<1x128x512xf32> to vector<128x512xf32>
    %get3A_4 = arith.constant 0 : index
    %get3A_5 = arith.constant 0 : index
    %get3A_6 = vector.load %arg3[%get3A_4, %get3A_5] : memref<1024x128xf32, #tpu.memory_space<vmem>>, vector<1024x128xf32>
    %mul3A = arith.constant -2.000000e+00 : f32
    %mul3A_7 = vector.broadcast %mul3A : f32 to vector<128x512xf32>
    %mul3A_8 = arith.mulf %get3A_3, %mul3A_7 : vector<128x512xf32>
    %dot_general3A = arith.constant dense<0.000000e+00> : vector<1024x512xf32>
    %dot_general3A_9 = tpu.matmul %get3A_6, %mul3A_8, %dot_general3A {dimension_numbers = #tpu.dot_dimension_numbers<[1], [0], [0], [1], [0, 0, 1, 1], [], []>, transpose_lhs_hint = false} : vector<1024x128xf32>, vector<128x512xf32>, vector<1024x512xf32> -> vector<1024x512xf32>
    %mul3A_10 = arith.mulf %get3A_6, %get3A_6 : vector<1024x128xf32>
    %reduce_sum3A = arith.constant dense<0.000000e+00> : vector<1024xf32>
    %reduce_sum3A_11 = vector.multi_reduction <add>, %mul3A_10, %reduce_sum3A [1] : vector<1024x128xf32> to vector<1024xf32>
    %broadcast_in_dim3A = vector.shape_cast %reduce_sum3A_11 : vector<1024xf32> to vector<1024x1xf32>
    %add3A = vector.broadcast %broadcast_in_dim3A : vector<1024x1xf32> to vector<1024x512xf32>
    %add3A_12 = arith.addf %dot_general3A_9, %add3A : vector<1024x512xf32>
    %iota3A = tpu.iota {dimensions = array<i32: 0>} : vector<1024x512xi32>
    %slice3A = vector.extract_strided_slice %add3A_12 {offsets = [0, 0], sizes = [512, 512], strides = [1, 1]} : vector<1024x512xf32> to vector<512x512xf32>
    %slice3A_13 = vector.extract_strided_slice %add3A_12 {offsets = [512, 0], sizes = [512, 512], strides = [1, 1]} : vector<1024x512xf32> to vector<512x512xf32>
    %le3A = arith.cmpf ole, %slice3A, %slice3A_13 : vector<512x512xf32>
    %select_n3A = arith.select %le3A, %slice3A, %slice3A_13 : vector<512x512xi1>, vector<512x512xf32>
    %slice3A_14 = vector.extract_strided_slice %iota3A {offsets = [0, 0], sizes = [512, 512], strides = [1, 1]} : vector<1024x512xi32> to vector<512x512xi32>
    %slice3A_15 = vector.extract_strided_slice %iota3A {offsets = [512, 0], sizes = [512, 512], strides = [1, 1]} : vector<1024x512xi32> to vector<512x512xi32>
    %select_n3A_16 = arith.select %le3A, %slice3A_14, %slice3A_15 : vector<512x512xi1>, vector<512x512xi32>
    %slice3A_17 = vector.extract_strided_slice %select_n3A {offsets = [0, 0], sizes = [256, 512], strides = [1, 1]} : vector<512x512xf32> to vector<256x512xf32>
    %slice3A_18 = vector.extract_strided_slice %select_n3A {offsets = [256, 0], sizes = [256, 512], strides = [1, 1]} : vector<512x512xf32> to vector<256x512xf32>
    %le3A_19 = arith.cmpf ole, %slice3A_17, %slice3A_18 : vector<256x512xf32>
    %select_n3A_20 = arith.select %le3A_19, %slice3A_17, %slice3A_18 : vector<256x512xi1>, vector<256x512xf32>
    %slice3A_21 = vector.extract_strided_slice %select_n3A_16 {offsets = [0, 0], sizes = [256, 512], strides = [1, 1]} : vector<512x512xi32> to vector<256x512xi32>
    %slice3A_22 = vector.extract_strided_slice %select_n3A_16 {offsets = [256, 0], sizes = [256, 512], strides = [1, 1]} : vector<512x512xi32> to vector<256x512xi32>
    %select_n3A_23 = arith.select %le3A_19, %slice3A_21, %slice3A_22 : vector<256x512xi1>, vector<256x512xi32>
    %slice3A_24 = vector.extract_strided_slice %select_n3A_20 {offsets = [0, 0], sizes = [128, 512], strides = [1, 1]} : vector<256x512xf32> to vector<128x512xf32>
    %slice3A_25 = vector.extract_strided_slice %select_n3A_20 {offsets = [128, 0], sizes = [128, 512], strides = [1, 1]} : vector<256x512xf32> to vector<128x512xf32>
    %le3A_26 = arith.cmpf ole, %slice3A_24, %slice3A_25 : vector<128x512xf32>
    %select_n3A_27 = arith.select %le3A_26, %slice3A_24, %slice3A_25 : vector<128x512xi1>, vector<128x512xf32>
    %slice3A_28 = vector.extract_strided_slice %select_n3A_23 {offsets = [0, 0], sizes = [128, 512], strides = [1, 1]} : vector<256x512xi32> to vector<128x512xi32>
    %slice3A_29 = vector.extract_strided_slice %select_n3A_23 {offsets = [128, 0], sizes = [128, 512], strides = [1, 1]} : vector<256x512xi32> to vector<128x512xi32>
    %select_n3A_30 = arith.select %le3A_26, %slice3A_28, %slice3A_29 : vector<128x512xi1>, vector<128x512xi32>
    %slice3A_31 = vector.extract_strided_slice %select_n3A_27 {offsets = [0, 0], sizes = [64, 512], strides = [1, 1]} : vector<128x512xf32> to vector<64x512xf32>
    %slice3A_32 = vector.extract_strided_slice %select_n3A_27 {offsets = [64, 0], sizes = [64, 512], strides = [1, 1]} : vector<128x512xf32> to vector<64x512xf32>
    %le3A_33 = arith.cmpf ole, %slice3A_31, %slice3A_32 : vector<64x512xf32>
    %select_n3A_34 = arith.select %le3A_33, %slice3A_31, %slice3A_32 : vector<64x512xi1>, vector<64x512xf32>
    %slice3A_35 = vector.extract_strided_slice %select_n3A_30 {offsets = [0, 0], sizes = [64, 512], strides = [1, 1]} : vector<128x512xi32> to vector<64x512xi32>
    %slice3A_36 = vector.extract_strided_slice %select_n3A_30 {offsets = [64, 0], sizes = [64, 512], strides = [1, 1]} : vector<128x512xi32> to vector<64x512xi32>
    %select_n3A_37 = arith.select %le3A_33, %slice3A_35, %slice3A_36 : vector<64x512xi1>, vector<64x512xi32>
    %slice3A_38 = vector.extract_strided_slice %select_n3A_34 {offsets = [0, 0], sizes = [32, 512], strides = [1, 1]} : vector<64x512xf32> to vector<32x512xf32>
    %slice3A_39 = vector.extract_strided_slice %select_n3A_34 {offsets = [32, 0], sizes = [32, 512], strides = [1, 1]} : vector<64x512xf32> to vector<32x512xf32>
    %le3A_40 = arith.cmpf ole, %slice3A_38, %slice3A_39 : vector<32x512xf32>
    %select_n3A_41 = arith.select %le3A_40, %slice3A_38, %slice3A_39 : vector<32x512xi1>, vector<32x512xf32>
    %slice3A_42 = vector.extract_strided_slice %select_n3A_37 {offsets = [0, 0], sizes = [32, 512], strides = [1, 1]} : vector<64x512xi32> to vector<32x512xi32>
    %slice3A_43 = vector.extract_strided_slice %select_n3A_37 {offsets = [32, 0], sizes = [32, 512], strides = [1, 1]} : vector<64x512xi32> to vector<32x512xi32>
    %select_n3A_44 = arith.select %le3A_40, %slice3A_42, %slice3A_43 : vector<32x512xi1>, vector<32x512xi32>
    %slice3A_45 = vector.extract_strided_slice %select_n3A_41 {offsets = [0, 0], sizes = [16, 512], strides = [1, 1]} : vector<32x512xf32> to vector<16x512xf32>
    %slice3A_46 = vector.extract_strided_slice %select_n3A_41 {offsets = [16, 0], sizes = [16, 512], strides = [1, 1]} : vector<32x512xf32> to vector<16x512xf32>
    %le3A_47 = arith.cmpf ole, %slice3A_45, %slice3A_46 : vector<16x512xf32>
    %select_n3A_48 = arith.select %le3A_47, %slice3A_45, %slice3A_46 : vector<16x512xi1>, vector<16x512xf32>
    %slice3A_49 = vector.extract_strided_slice %select_n3A_44 {offsets = [0, 0], sizes = [16, 512], strides = [1, 1]} : vector<32x512xi32> to vector<16x512xi32>
    %slice3A_50 = vector.extract_strided_slice %select_n3A_44 {offsets = [16, 0], sizes = [16, 512], strides = [1, 1]} : vector<32x512xi32> to vector<16x512xi32>
    %select_n3A_51 = arith.select %le3A_47, %slice3A_49, %slice3A_50 : vector<16x512xi1>, vector<16x512xi32>
    %slice3A_52 = vector.extract_strided_slice %select_n3A_48 {offsets = [0, 0], sizes = [8, 512], strides = [1, 1]} : vector<16x512xf32> to vector<8x512xf32>
    %slice3A_53 = vector.extract_strided_slice %select_n3A_48 {offsets = [8, 0], sizes = [8, 512], strides = [1, 1]} : vector<16x512xf32> to vector<8x512xf32>
    %le3A_54 = arith.cmpf ole, %slice3A_52, %slice3A_53 : vector<8x512xf32>
    %select_n3A_55 = arith.select %le3A_54, %slice3A_52, %slice3A_53 : vector<8x512xi1>, vector<8x512xf32>
    %slice3A_56 = vector.extract_strided_slice %select_n3A_51 {offsets = [0, 0], sizes = [8, 512], strides = [1, 1]} : vector<16x512xi32> to vector<8x512xi32>
    %slice3A_57 = vector.extract_strided_slice %select_n3A_51 {offsets = [8, 0], sizes = [8, 512], strides = [1, 1]} : vector<16x512xi32> to vector<8x512xi32>
    %select_n3A_58 = arith.select %le3A_54, %slice3A_56, %slice3A_57 : vector<8x512xi1>, vector<8x512xi32>
    %reduce_min3A = arith.constant dense<0x7F800000> : vector<512xf32>
    %reduce_min3A_59 = vector.multi_reduction <minimumf>, %select_n3A_55, %reduce_min3A [0] : vector<8x512xf32> to vector<512xf32>
    %broadcast_in_dim3A_60 = vector.shape_cast %reduce_min3A_59 : vector<512xf32> to vector<1x512xf32>
    %eq3A = vector.broadcast %broadcast_in_dim3A_60 : vector<1x512xf32> to vector<8x512xf32>
    %eq3A_61 = arith.cmpf oeq, %select_n3A_55, %eq3A : vector<8x512xf32>
    %jit3A = arith.constant 1024 : i32
    %broadcast_in_dim3A_62 = vector.broadcast %jit3A : i32 to vector<8x512xi32>
    %select_n3A_63 = arith.select %eq3A_61, %select_n3A_58, %broadcast_in_dim3A_62 : vector<8x512xi1>, vector<8x512xi32>
    %reduce_min3A_64 = arith.constant dense<2147483647> : vector<512xi32>
    %reduce_min3A_65 = vector.multi_reduction <minsi>, %select_n3A_63, %reduce_min3A_64 [0] : vector<8x512xi32> to vector<512xi32>
    %broadcast_in_dim3A_66 = vector.shape_cast %reduce_min3A_65 : vector<512xi32> to vector<1x512xi32>
    %squeeze3A = vector.shape_cast %broadcast_in_dim3A_66 : vector<1x512xi32> to vector<512xi32>
    %swap3A = arith.constant 0 : index
    %swap3A_67 = arith.constant 0 : index
    %swap3A_68 = arith.constant 0 : index
    %swap3A_69 = vector.load %arg4[%swap3A, %swap3A_67, %swap3A_68] : memref<1x1x512xi32, #tpu.memory_space<vmem>>, vector<1x1x512xi32>
    %swap3A_70 = vector.shape_cast %swap3A_69 : vector<1x1x512xi32> to vector<512xi32>
    %swap3A_71 = vector.shape_cast %squeeze3A : vector<512xi32> to vector<1x1x512xi32>
    tpu.vector_store %arg4[%swap3A, %swap3A_67, %swap3A_68], %swap3A_71 {strides = array<i32>} : memref<1x1x512xi32, #tpu.memory_space<vmem>>, vector<1x1x512xi32>,
    %eq3A_72 = vector.broadcast %broadcast_in_dim3A_66 : vector<1x512xi32> to vector<1024x512xi32>
    %eq3A_73 = arith.cmpi eq, %iota3A, %eq3A_72 : vector<1024x512xi32>
    %convert_element_type3A = arith.extui %eq3A_73 : vector<1024x512xi1> to vector<1024x512xi32>
    %convert_element_type3A_74 = arith.sitofp %convert_element_type3A : vector<1024x512xi32> to vector<1024x512xf32>
    %dot_general3A_75 = arith.constant dense<0.000000e+00> : vector<512x128xf32>
    %dot_general3A_76 = tpu.matmul %convert_element_type3A_74, %get3A_6, %dot_general3A_75 {dimension_numbers = #tpu.dot_dimension_numbers<[0], [0], [1], [1], [0, 1, 1, 1], [], []>, transpose_lhs_hint = false} : vector<1024x512xf32>, vector<1024x128xf32>, vector<512x128xf32> -> vector<512x128xf32>
    %swap3A_77 = arith.constant 0 : index
    %swap3A_78 = arith.constant 0 : index
    %swap3A_79 = arith.constant 0 : index
    %swap3A_80 = vector.load %arg5[%swap3A_77, %swap3A_78, %swap3A_79] : memref<1x512x128xf32, #tpu.memory_space<vmem>>, vector<1x512x128xf32>
    %swap3A_81 = vector.shape_cast %swap3A_80 : vector<1x512x128xf32> to vector<512x128xf32>
    %swap3A_82 = vector.shape_cast %dot_general3A_76 : vector<512x128xf32> to vector<1x512x128xf32>
    tpu.vector_store %arg5[%swap3A_77, %swap3A_78, %swap3A_79], %swap3A_82 {strides = array<i32>} : memref<1x512x128xf32, #tpu.memory_space<vmem>>, vector<1x512x128xf32>,
    return
  }
  func.func @transform_0(%arg0: i32, %arg1: i32) -> (i32, i32, i32) {
    %add3A = arith.constant 24 : i32
    %add3A_0 = arith.addi %arg0, %add3A : i32
    %c0_i32 = arith.constant 0 : i32
    %c0_i32_1 = arith.constant 0 : i32
    return %add3A_0, %c0_i32, %arg1 : i32, i32, i32
  }
  func.func @transform_1(%arg0: i32, %arg1: i32) -> (i32, i32) {
    %c0_i32 = arith.constant 0 : i32
    %c0_i32_0 = arith.constant 0 : i32
    %c0_i32_1 = arith.constant 0 : i32
    return %c0_i32, %c0_i32_0 : i32, i32
  }
  func.func @transform_2(%arg0: i32, %arg1: i32) -> (i32, i32, i32) {
    %c0_i32 = arith.constant 0 : i32
    %c0_i32_0 = arith.constant 0 : i32
    return %arg0, %c0_i32, %arg1 : i32, i32, i32
  }
  func.func @transform_3(%arg0: i32, %arg1: i32) -> (i32, i32, i32) {
    %c0_i32 = arith.constant 0 : i32
    %c0_i32_0 = arith.constant 0 : i32
    return %arg0, %arg1, %c0_i32 : i32, i32, i32
  }
}

module attributes {stable_mosaic.version = 14 : i64} {
  func.func @_codes_kernel(%arg0: i32, %arg1: i32, %arg2: memref<1x128x512xf32, #tpu.memory_space<vmem>>, %arg3: memref<1024x128xf32, #tpu.memory_space<vmem>>, %arg4: memref<1x1x512xi32, #tpu.memory_space<vmem>>) attributes {dimension_semantics = [#tpu.dimension_semantics<arbitrary>, #tpu.dimension_semantics<arbitrary>], iteration_bounds = array<i64: 8, 8>, scalar_prefetch = 0 : i64, scratch_operands = 0 : i64, tpu.core_type = #tpu.core_type<tc>, window_params = [{transform_indices = @transform_0, window_bounds = array<i64: 1, 128, 512>}, {pipeline_mode = #tpu.pipeline_mode<synchronous>, transform_indices = @transform_1, window_bounds = array<i64: 1024, 128>}, {transform_indices = @transform_2, window_bounds = array<i64: 1, 1, 512>}]} {
    %get3A = arith.constant 0 : index
    %get3A_0 = arith.constant 0 : index
    %get3A_1 = arith.constant 0 : index
    %get3A_2 = vector.load %arg2[%get3A, %get3A_0, %get3A_1] : memref<1x128x512xf32, #tpu.memory_space<vmem>>, vector<1x128x512xf32>
    %get3A_3 = vector.shape_cast %get3A_2 : vector<1x128x512xf32> to vector<128x512xf32>
    %get3A_4 = arith.constant 0 : index
    %get3A_5 = arith.constant 0 : index
    %get3A_6 = vector.load %arg3[%get3A_4, %get3A_5] : memref<1024x128xf32, #tpu.memory_space<vmem>>, vector<1024x128xf32>
    %mul3A = arith.constant -2.000000e+00 : f32
    %mul3A_7 = vector.broadcast %mul3A : f32 to vector<128x512xf32>
    %mul3A_8 = arith.mulf %get3A_3, %mul3A_7 : vector<128x512xf32>
    %dot_general3A = arith.constant dense<0.000000e+00> : vector<1024x512xf32>
    %dot_general3A_9 = tpu.matmul %get3A_6, %mul3A_8, %dot_general3A {dimension_numbers = #tpu.dot_dimension_numbers<[1], [0], [0], [1], [0, 0, 1, 1], [], []>, transpose_lhs_hint = false} : vector<1024x128xf32>, vector<128x512xf32>, vector<1024x512xf32> -> vector<1024x512xf32>
    %mul3A_10 = arith.mulf %get3A_6, %get3A_6 : vector<1024x128xf32>
    %reduce_sum3A = arith.constant dense<0.000000e+00> : vector<1024xf32>
    %reduce_sum3A_11 = vector.multi_reduction <add>, %mul3A_10, %reduce_sum3A [1] : vector<1024x128xf32> to vector<1024xf32>
    %broadcast_in_dim3A = vector.shape_cast %reduce_sum3A_11 : vector<1024xf32> to vector<1024x1xf32>
    %add3A = vector.broadcast %broadcast_in_dim3A : vector<1024x1xf32> to vector<1024x512xf32>
    %add3A_12 = arith.addf %dot_general3A_9, %add3A : vector<1024x512xf32>
    %iota3A = tpu.iota {dimensions = array<i32: 0>} : vector<1024x512xi32>
    %slice3A = vector.extract_strided_slice %add3A_12 {offsets = [0, 0], sizes = [512, 512], strides = [1, 1]} : vector<1024x512xf32> to vector<512x512xf32>
    %slice3A_13 = vector.extract_strided_slice %add3A_12 {offsets = [512, 0], sizes = [512, 512], strides = [1, 1]} : vector<1024x512xf32> to vector<512x512xf32>
    %le3A = arith.cmpf ole, %slice3A, %slice3A_13 : vector<512x512xf32>
    %select_n3A = arith.select %le3A, %slice3A, %slice3A_13 : vector<512x512xi1>, vector<512x512xf32>
    %slice3A_14 = vector.extract_strided_slice %iota3A {offsets = [0, 0], sizes = [512, 512], strides = [1, 1]} : vector<1024x512xi32> to vector<512x512xi32>
    %slice3A_15 = vector.extract_strided_slice %iota3A {offsets = [512, 0], sizes = [512, 512], strides = [1, 1]} : vector<1024x512xi32> to vector<512x512xi32>
    %select_n3A_16 = arith.select %le3A, %slice3A_14, %slice3A_15 : vector<512x512xi1>, vector<512x512xi32>
    %slice3A_17 = vector.extract_strided_slice %select_n3A {offsets = [0, 0], sizes = [256, 512], strides = [1, 1]} : vector<512x512xf32> to vector<256x512xf32>
    %slice3A_18 = vector.extract_strided_slice %select_n3A {offsets = [256, 0], sizes = [256, 512], strides = [1, 1]} : vector<512x512xf32> to vector<256x512xf32>
    %le3A_19 = arith.cmpf ole, %slice3A_17, %slice3A_18 : vector<256x512xf32>
    %select_n3A_20 = arith.select %le3A_19, %slice3A_17, %slice3A_18 : vector<256x512xi1>, vector<256x512xf32>
    %slice3A_21 = vector.extract_strided_slice %select_n3A_16 {offsets = [0, 0], sizes = [256, 512], strides = [1, 1]} : vector<512x512xi32> to vector<256x512xi32>
    %slice3A_22 = vector.extract_strided_slice %select_n3A_16 {offsets = [256, 0], sizes = [256, 512], strides = [1, 1]} : vector<512x512xi32> to vector<256x512xi32>
    %select_n3A_23 = arith.select %le3A_19, %slice3A_21, %slice3A_22 : vector<256x512xi1>, vector<256x512xi32>
    %slice3A_24 = vector.extract_strided_slice %select_n3A_20 {offsets = [0, 0], sizes = [128, 512], strides = [1, 1]} : vector<256x512xf32> to vector<128x512xf32>
    %slice3A_25 = vector.extract_strided_slice %select_n3A_20 {offsets = [128, 0], sizes = [128, 512], strides = [1, 1]} : vector<256x512xf32> to vector<128x512xf32>
    %le3A_26 = arith.cmpf ole, %slice3A_24, %slice3A_25 : vector<128x512xf32>
    %select_n3A_27 = arith.select %le3A_26, %slice3A_24, %slice3A_25 : vector<128x512xi1>, vector<128x512xf32>
    %slice3A_28 = vector.extract_strided_slice %select_n3A_23 {offsets = [0, 0], sizes = [128, 512], strides = [1, 1]} : vector<256x512xi32> to vector<128x512xi32>
    %slice3A_29 = vector.extract_strided_slice %select_n3A_23 {offsets = [128, 0], sizes = [128, 512], strides = [1, 1]} : vector<256x512xi32> to vector<128x512xi32>
    %select_n3A_30 = arith.select %le3A_26, %slice3A_28, %slice3A_29 : vector<128x512xi1>, vector<128x512xi32>
    %slice3A_31 = vector.extract_strided_slice %select_n3A_27 {offsets = [0, 0], sizes = [64, 512], strides = [1, 1]} : vector<128x512xf32> to vector<64x512xf32>
    %slice3A_32 = vector.extract_strided_slice %select_n3A_27 {offsets = [64, 0], sizes = [64, 512], strides = [1, 1]} : vector<128x512xf32> to vector<64x512xf32>
    %le3A_33 = arith.cmpf ole, %slice3A_31, %slice3A_32 : vector<64x512xf32>
    %select_n3A_34 = arith.select %le3A_33, %slice3A_31, %slice3A_32 : vector<64x512xi1>, vector<64x512xf32>
    %slice3A_35 = vector.extract_strided_slice %select_n3A_30 {offsets = [0, 0], sizes = [64, 512], strides = [1, 1]} : vector<128x512xi32> to vector<64x512xi32>
    %slice3A_36 = vector.extract_strided_slice %select_n3A_30 {offsets = [64, 0], sizes = [64, 512], strides = [1, 1]} : vector<128x512xi32> to vector<64x512xi32>
    %select_n3A_37 = arith.select %le3A_33, %slice3A_35, %slice3A_36 : vector<64x512xi1>, vector<64x512xi32>
    %slice3A_38 = vector.extract_strided_slice %select_n3A_34 {offsets = [0, 0], sizes = [32, 512], strides = [1, 1]} : vector<64x512xf32> to vector<32x512xf32>
    %slice3A_39 = vector.extract_strided_slice %select_n3A_34 {offsets = [32, 0], sizes = [32, 512], strides = [1, 1]} : vector<64x512xf32> to vector<32x512xf32>
    %le3A_40 = arith.cmpf ole, %slice3A_38, %slice3A_39 : vector<32x512xf32>
    %select_n3A_41 = arith.select %le3A_40, %slice3A_38, %slice3A_39 : vector<32x512xi1>, vector<32x512xf32>
    %slice3A_42 = vector.extract_strided_slice %select_n3A_37 {offsets = [0, 0], sizes = [32, 512], strides = [1, 1]} : vector<64x512xi32> to vector<32x512xi32>
    %slice3A_43 = vector.extract_strided_slice %select_n3A_37 {offsets = [32, 0], sizes = [32, 512], strides = [1, 1]} : vector<64x512xi32> to vector<32x512xi32>
    %select_n3A_44 = arith.select %le3A_40, %slice3A_42, %slice3A_43 : vector<32x512xi1>, vector<32x512xi32>
    %slice3A_45 = vector.extract_strided_slice %select_n3A_41 {offsets = [0, 0], sizes = [16, 512], strides = [1, 1]} : vector<32x512xf32> to vector<16x512xf32>
    %slice3A_46 = vector.extract_strided_slice %select_n3A_41 {offsets = [16, 0], sizes = [16, 512], strides = [1, 1]} : vector<32x512xf32> to vector<16x512xf32>
    %le3A_47 = arith.cmpf ole, %slice3A_45, %slice3A_46 : vector<16x512xf32>
    %select_n3A_48 = arith.select %le3A_47, %slice3A_45, %slice3A_46 : vector<16x512xi1>, vector<16x512xf32>
    %slice3A_49 = vector.extract_strided_slice %select_n3A_44 {offsets = [0, 0], sizes = [16, 512], strides = [1, 1]} : vector<32x512xi32> to vector<16x512xi32>
    %slice3A_50 = vector.extract_strided_slice %select_n3A_44 {offsets = [16, 0], sizes = [16, 512], strides = [1, 1]} : vector<32x512xi32> to vector<16x512xi32>
    %select_n3A_51 = arith.select %le3A_47, %slice3A_49, %slice3A_50 : vector<16x512xi1>, vector<16x512xi32>
    %slice3A_52 = vector.extract_strided_slice %select_n3A_48 {offsets = [0, 0], sizes = [8, 512], strides = [1, 1]} : vector<16x512xf32> to vector<8x512xf32>
    %slice3A_53 = vector.extract_strided_slice %select_n3A_48 {offsets = [8, 0], sizes = [8, 512], strides = [1, 1]} : vector<16x512xf32> to vector<8x512xf32>
    %le3A_54 = arith.cmpf ole, %slice3A_52, %slice3A_53 : vector<8x512xf32>
    %select_n3A_55 = arith.select %le3A_54, %slice3A_52, %slice3A_53 : vector<8x512xi1>, vector<8x512xf32>
    %slice3A_56 = vector.extract_strided_slice %select_n3A_51 {offsets = [0, 0], sizes = [8, 512], strides = [1, 1]} : vector<16x512xi32> to vector<8x512xi32>
    %slice3A_57 = vector.extract_strided_slice %select_n3A_51 {offsets = [8, 0], sizes = [8, 512], strides = [1, 1]} : vector<16x512xi32> to vector<8x512xi32>
    %select_n3A_58 = arith.select %le3A_54, %slice3A_56, %slice3A_57 : vector<8x512xi1>, vector<8x512xi32>
    %reduce_min3A = arith.constant dense<0x7F800000> : vector<512xf32>
    %reduce_min3A_59 = vector.multi_reduction <minimumf>, %select_n3A_55, %reduce_min3A [0] : vector<8x512xf32> to vector<512xf32>
    %broadcast_in_dim3A_60 = vector.shape_cast %reduce_min3A_59 : vector<512xf32> to vector<1x512xf32>
    %eq3A = vector.broadcast %broadcast_in_dim3A_60 : vector<1x512xf32> to vector<8x512xf32>
    %eq3A_61 = arith.cmpf oeq, %select_n3A_55, %eq3A : vector<8x512xf32>
    %jit3A = arith.constant 1024 : i32
    %broadcast_in_dim3A_62 = vector.broadcast %jit3A : i32 to vector<8x512xi32>
    %select_n3A_63 = arith.select %eq3A_61, %select_n3A_58, %broadcast_in_dim3A_62 : vector<8x512xi1>, vector<8x512xi32>
    %reduce_min3A_64 = arith.constant dense<2147483647> : vector<512xi32>
    %reduce_min3A_65 = vector.multi_reduction <minsi>, %select_n3A_63, %reduce_min3A_64 [0] : vector<8x512xi32> to vector<512xi32>
    %swap3A = arith.constant 0 : index
    %swap3A_66 = arith.constant 0 : index
    %swap3A_67 = arith.constant 0 : index
    %swap3A_68 = vector.load %arg4[%swap3A, %swap3A_66, %swap3A_67] : memref<1x1x512xi32, #tpu.memory_space<vmem>>, vector<1x1x512xi32>
    %swap3A_69 = vector.shape_cast %swap3A_68 : vector<1x1x512xi32> to vector<512xi32>
    %swap3A_70 = vector.shape_cast %reduce_min3A_65 : vector<512xi32> to vector<1x1x512xi32>
    tpu.vector_store %arg4[%swap3A, %swap3A_66, %swap3A_67], %swap3A_70 {strides = array<i32>} : memref<1x1x512xi32, #tpu.memory_space<vmem>>, vector<1x1x512xi32>,
    return
  }
  func.func @transform_0(%arg0: i32, %arg1: i32) -> (i32, i32, i32) {
    %add3A = arith.constant 8 : i32
    %add3A_0 = arith.addi %arg0, %add3A : i32
    %c0_i32 = arith.constant 0 : i32
    %c0_i32_1 = arith.constant 0 : i32
    return %add3A_0, %c0_i32, %arg1 : i32, i32, i32
  }
  func.func @transform_1(%arg0: i32, %arg1: i32) -> (i32, i32) {
    %c0_i32 = arith.constant 0 : i32
    %c0_i32_0 = arith.constant 0 : i32
    %c0_i32_1 = arith.constant 0 : i32
    return %c0_i32, %c0_i32_0 : i32, i32
  }
  func.func @transform_2(%arg0: i32, %arg1: i32) -> (i32, i32, i32) {
    %c0_i32 = arith.constant 0 : i32
    %c0_i32_0 = arith.constant 0 : i32
    return %arg0, %c0_i32, %arg1 : i32, i32, i32
  }
}

</mosaic_0001>

<sc_bundles>
// kernel: kernel.7.cloned.1.call-start
scs
__scs_entry_jumppad:
0x0: {  	(pc) =	sbr.rel $0x88, $3  }
0x1: {  	(tag) =	ssettag $0x0;
	lr =	simm.s32 $0x1  }
0x2: {  	[smem:$0x3F9F] =	sst lr;
	_ =	strace $0xD0000000  }
0x3: {  	_ = 	snop  }
0x4: {  	_ = 	snop  }
0x5: {  	_ = 	snop  }
0x6: {  	_ = 	snop  }
0x7: {  	_ = 	snop  }
__scs_overlays_trampoline_lowered:
0x8: {  	[smem:$0x3FAE] =	sst s0  }
0x9: {  	[smem:$0x3FAF] =	sst s1  }
0xa: {  	[smem:$0x3FB0] =	sst s2  }
0xb: {  	[smem:$0x3FB1] =	sst s3  }
0xc: {  	[smem:$0x3FB2] =	sst s4  }
0xd: {  	[smem:$0x3FB3] =	sst s5  }
0xe: {  	[smem:$0x3FB4] =	sst s6  }
0xf: {  	[smem:$0x3FB5] =	sst s7  }
0x10: {  	[smem:$0x3FB6] =	sst s8  }
0x11: {  	[smem:$0x3FB7] =	sst s9;
	s0 =	simm.s32 @!p0 $0x0  }
0x12: {  	s1 =	sld [smem:$0x3F9D];
	s0 =	simm.s32 @p0 $0x1  }
0x13: {  	[smem:$0x3FB8] =	sst s0;
	s0 =	simm.s32 @!p1 $0x0  }
0x14: {  	s2 =	sld [smem:$0x3F9C];
	s0 =	simm.s32 @p1 $0x1  }
0x15: {  	[smem:$0x3FB9] =	sst s0;
	s0 =	simm.s32 @!p2 $0x0  }
0x16: {  	s3 =	sld [smem:$0x3FDB];
	s0 =	simm.s32 @p2 $0x1  }
0x17: {  	s4 =	simm.s32 $0x1BF5;
	[smem:$0x3FBB] =	sst s0  }
0x18: {  	s0 =	sld [smem:$0x3F9E];
	_ =	swait.ge [sflag:s4], $0x0  }
0x19: {  	s7 =	sld [smem:$0x3F9F]  }
0x1a: {  	s8 =	sadd.s32 $0xFFFFE003, lr  }
0x1b: {  	s9 =	sadd.s32 $0xFFFFFEF7, lr;
	s5 =	simm.s32 $0xFFFFFFFF;
	p2 =	slt.u32 s8, $0xFFFFF086  }
0x1c: {  	p1 =	slt.u32 s9, $0xF7A;
	s5 =	simm.s32 @!p2 $0x0  }
0x1d: {  	s5 =	simm.s32 @p1 $0x1;
	p0 =	seq.s32 s7, s2  }
0x1e: {  	s7 =	smul.u32 @!p0 $0xF7A, s2;
	p2 =	seq.s32 @!p0 s5, $0x0  }
0x1f: {  	s9 =	smul.u32 $0xF7A, s1;
	s8 =	simm.s32 @!p0 $0x1BF5;
	p2 =	por !p2, p0  }
0x20: {  	[sflag:s8] =	ssyncset.s32 @!p0 $0xFFFFF086;
	s6 =	sadd.s32 @!p0 s3, s7;
	s7 =	simm.s32 @!p0 $0x108  }
0x21: {  	s3 =	sadd.s32 s3, s9;
	s6 =	sadd.s32 @!p0 $0x88, s6;
	s7 =	simm.s32 @p2 $0x1082  }
0x22: {  	[simem:s7], [sflag:s8] =	dma.local @!p0 [hbm:s6], $0xF7A  }
0x23: {  	s9 =	sor.u32 $0xD0000000, s2;
	s6 =	simm.s32 $0x108;
	_ =	swait.ge @!p0 [sflag:s8], $0x0  }
0x24: {  	s3 =	sadd.s32 $0x88, s3;
	s6 =	simm.s32 @!p1 $0x1082;
	[sflag:s4] =	ssyncset.s32 $0xFFFFF086  }
0x25: {  	[simem:s6], [sflag:s4] =	dma.local [hbm:s3], $0xF7A  }
0x26: {  	[smem:$0x3F9F] =	sst s1;
	(tag) =	ssettag s2;
	_ =	strace s9  }
0x27: {  	s1 =	sld [smem:$0x3FAF]  }
0x28: {  	s2 =	sld [smem:$0x3FB0]  }
0x29: {  	s4 =	sld [smem:$0x3FB2]  }
0x2a: {  	p0 =	seq.s32 s5, $0x0;
	s5 =	sld [smem:$0x3FB3]  }
0x2b: {  	s6 =	sld [smem:$0x3FB4]  }
0x2c: {  	s7 =	sld [smem:$0x3FB5]  }
0x2d: {  	s3 =	simm.s32 $0x108;
	s8 =	sld [smem:$0x3FB6]  }
0x2e: {  	s3 =	simm.s32 @!p0 $0x1082;
	s9 =	sld [smem:$0x3FB7]  }
0x2f: {  	lr =	sadd.s32 s0, s3;
	s0 =	sld [smem:$0x3FAE]  }
0x30: {  	s3 =	sld [smem:$0x3FB1]  }
0x31: {  	[smem:$0x3FBA] =	sst s10  }
0x32: {  	s10 =	sld [smem:$0x3FB8];
	_ =	sdelay $0x3  }
0x33: {  	p0 =	seq.s32 s10, $0x1;
	s10 =	sld [smem:$0x3FBA];
	_ =	sdelay $0x3  }
0x34: {  	[smem:$0x3FBA] =	sst s10  }
0x35: {  	s10 =	sld [smem:$0x3FB9];
	_ =	sdelay $0x3  }
0x36: {  	p1 =	seq.s32 s10, $0x1;
	s10 =	sld [smem:$0x3FBA];
	_ =	sdelay $0x3  }
0x37: {  	[smem:$0x3FBA] =	sst s10  }
0x38: {  	s10 =	sld [smem:$0x3FBB]  }
0x39: {  	_ = 	snop;
	(pc) =	sbr.ind lr, $3  }
0x3a: {  	_ = 	snop  }
0x3b: {  	_ = 	snop  }
0x3c: {  	p2 =	seq.s32 s10, $0x1;
	s10 =	sld [smem:$0x3FBA]  }
0x3d: {  	_ =	shalt  }
0x3e: {  	_ =	shalt  }
0x3f: {  	_ =	shalt  }
0x40: {  	_ =	shalt  }
0x41: {  	_ =	shalt  }
0x42: {  	_ =	shalt  }
0x43: {  	_ =	shalt  }
0x44: {  	_ =	shalt  }
0x45: {  	_ =	shalt  }
0x46: {  	_ =	shalt  }
0x47: {  	_ =	shalt  }
0x48: {  	_ =	shalt  }
0x49: {  	_ =	shalt  }
0x4a: {  	_ =	shalt  }
0x4b: {  	_ =	shalt  }
0x4c: {  	_ =	shalt  }
0x4d: {  	_ =	shalt  }
0x4e: {  	_ =	shalt  }
0x4f: {  	_ =	shalt  }
0x50: {  	_ =	shalt  }
0x51: {  	_ =	shalt  }
0x52: {  	_ =	shalt  }
0x53: {  	_ =	shalt  }
0x54: {  	_ =	shalt  }
0x55: {  	_ =	shalt  }
0x56: {  	_ =	shalt  }
0x57: {  	_ =	shalt  }
0x58: {  	_ =	shalt  }
0x59: {  	_ =	shalt  }
0x5a: {  	_ =	shalt  }
0x5b: {  	_ =	shalt  }
0x5c: {  	_ =	shalt  }
0x5d: {  	_ =	shalt  }
0x5e: {  	_ =	shalt  }
0x5f: {  	_ =	shalt  }
0x60: {  	_ =	shalt  }
0x61: {  	_ =	shalt  }
0x62: {  	_ =	shalt  }
0x63: {  	_ =	shalt  }
0x64: {  	_ =	shalt  }
0x65: {  	_ =	shalt  }
0x66: {  	_ =	shalt  }
0x67: {  	_ =	shalt  }
0x68: {  	_ =	shalt  }
0x69: {  	_ =	shalt  }
0x6a: {  	_ =	shalt  }
0x6b: {  	_ =	shalt  }
0x6c: {  	_ =	shalt  }
0x6d: {  	_ =	shalt  }
0x6e: {  	_ =	shalt  }
0x6f: {  	_ =	shalt  }
0x70: {  	_ =	shalt  }
0x71: {  	_ =	shalt  }
0x72: {  	_ =	shalt  }
0x73: {  	_ =	shalt  }
0x74: {  	_ =	shalt  }
0x75: {  	_ =	shalt  }
0x76: {  	_ =	shalt  }
0x77: {  	_ =	shalt  }
0x78: {  	_ =	shalt  }
0x79: {  	_ =	shalt  }
0x7a: {  	_ =	shalt  }
0x7b: {  	_ =	shalt  }
0x7c: {  	_ =	shalt  }
0x7d: {  	_ =	shalt  }
0x7e: {  	_ =	shalt  }
0x7f: {  	_ =	shalt  }
0x80: {  	_ =	shalt  }
0x81: {  	_ =	shalt  }
0x82: {  	_ =	shalt  }
0x83: {  	_ =	shalt  }
0x84: {  	_ =	shalt  }
0x85: {  	_ =	shalt  }
0x86: {  	_ =	shalt  }
0x87: {  	_ =	shalt  }
.Lfunc_end0:
.L_simem_size_0:
called_computation_lowered:
.L_overlay_start_0:
0x88: {  	s2 =	sld [smem:$0x3FD9]  }
0x89: {  	s3 =	sld [smem:$0x3FFE];
	_ =	sdelay $0x1  }
0x8a: {  	s1 =	srdreg.scid  }
0x8b: {  	s0 =	sand.u32 $0x1, s1  }
0x8c: {  	s14 =	sshll.u32 s0, $0xA;
	s2 =	sadd.s32 s3, s2  }
0x8d: {  	s2 =	sadd.s32 s2, s14  }
0x8e: {  	[smem:$0x3FC6] =	sst s2  }
0x8f: {  	_ = 	snop  }
0x90: {  	s2 =	sld [smem:$0x3FD0];
	_ =	sdelay $0x2  }
0x91: {  	s4 =	simm.s32 $0xA;
	s5 =	simm.s32 $0x10;
	s15 =	sld [smem:$0x3FC8]  }
0x92: {  	[smem:s5], [sflag:s4] =	dma.local [hbm:s2], $0x1  }
0x93: {  	_ =	swait.eq [sflag:s4], $0x1  }
0x94: {  	[sflag:s4] =	ssyncset.done $0x0  }
0x95: {  	[sflag:s4] =	ssyncadd.s32 $0xFFFFFFFF  }
0x96: {  	s16 =	sld [smem:$0x10];
	(tm) =	ssettm $0x1  }
0x97: {  	s17 =	sld [smem:$0x3FFB];
	_ =	sdelay $0x3  }
0x98: {  	_ =	strace s17  }
0x99: {  	s4 =	sld [smem:$0x3FFC];
	_ =	sdelay $0x3  }
0x9a: {  	_ =	strace s4  }
0x9b: {  	s4 =	sld [smem:$0x3FFD];
	_ =	sdelay $0x3  }
0x9c: {  	_ =	strace s4  }
0x9d: {  	_ =	strace $0x8FFFFFFF  }
0x9e: {  	s18 =	sld [smem:$0x3FDB];
	_ =	sdelay $0x1  }
0x9f: {  	s19 =	simm.s32 $_scs_section_size  }
0xa0: {  	s6 =	simm.s32 $_size__tile_overlayer_lowered;
	s7 =	simm.s32 $_tile_overlayer_lowered  }
0xa1: {  	s22 =	simm.s32 $0x1BFF;
	s21 =	sshll.u32 s7, $0x1;
	s4 =	sadd.s32 s19, s18  }
0xa2: {  	s8 =	simm.s32 $0x0;
	s20 =	sshll.u32 s6, $0x1;
	s6 =	sadd.s32 s21, s4  }
0xa3: {  	[timem:s8], [sflag:s22] =	dma.local [hbm:s6], s20  }
0xa4: {  	_ =	swait.ge [sflag:s22], s20  }
0xa5: {  	s5 =	ssub.s32 $0x0, s20;
	[sflag:s22] =	ssyncset.done $0x0  }
0xa6: {  	[sflag:s22] =	ssyncadd.s32 s5;
	_ =	sdelay $0x1  }
0xa7: {  	s23 =	simm.s32 $0x1B8B  }
0xa8: {  	_ =	swait.ge [sflag:s23], $0x1  }
0xa9: {  	[sflag:s23] =	ssyncset.done $0x0  }
0xaa: {  	s25 =	simm.s32 $0x1B8E;
	s24 =	sld [smem:$0x3FFE];
	[sflag:s23] =	ssyncadd.s32 $0xFFFFFFFF  }
0xab: {  	s26 =	simm.s32 $execute0_lowered;
	[smem:$0x3FD2] =	sst s25  }
0xac: {  	s6 =	sshll.u32 s26, $0x1;
	_ =	strace $0x80000046;
	[dreg:$0x1] =	wrdreg $0xFFFFFFFF  }
0xad: {  	s28 =	simm.s32 $_size_execute0_lowered;
	s4 =	sadd.s32 s4, s6;
	[dreg:$0x0] =	wrdreg $0x0  }
0xae: {  	s6 =	sshll.u32 s28, $0x1;
	[dreg:$0x2] =	wrdreg s4  }
0xaf: {  	[dreg:$0x3] =	wrdreg s6  }
0xb0: {  	[dreg:$0x4] =	wrdreg $0xC0  }
0xb1: {  	_ =	task [dreg:s8], $0x5FFFF  }
0xb2: {  	[dreg:$0x1] =	wrdreg $0xFFFFFFFF  }
0xb3: {  	[dreg:$0x0] =	wrdreg $0x60  }
0xb4: {  	[dreg:$0x2] =	wrdreg s16  }
0xb5: {  	[dreg:$0x3] =	wrdreg s24  }
0xb6: {  	[dreg:$0x4] =	wrdreg s15  }
0xb7: {  	[dreg:$0x5] =	wrdreg $0x9  }
0xb8: {  	_ =	task.clear_ibuf [dreg:s8], $0x6FFFF;
	_ =	strace $0x90000046  }
0xb9: {  	s29 =	simm.s32 $0x9;
	_ =	strace $0x80000048  }
0xba: {  	_ =	swait.ge [sflag:s29], $0x1  }
0xbb: {  	[sflag:s29] =	ssyncadd.s32 $0xFFFFFFFF  }
0xbc: {  	_ =	strace $0x90000048  }
0xbd: {  	_ =	sfence  }
0xbe: {  	s30 =	sld [smem:$0x0];
	_ =	sdelay $0x2  }
0xbf: {  	s31 =	sshll.u32 s1, $0xD;
	s1 =	sshrl.u32 s1, $0x2  }
0xc0: {  	s3 =	sand.u32 $0x4000, s31;
	s1 =	sadd.s32 s1, s30  }
0xc1: {  	s0 =	sor.u32 s3, s0;
	s1 =	sshll.u32 s1, $0x11  }
0xc2: {  	s0 =	sor.u32 s1, s0  }
0xc3: {  	s0 =	sadd.s32 $0x8F2B, s0  }
0xc4: {  	[sflag:s0] =	ssyncadd.remote.s32 $0x1  }
0xc5: {  	_ =	sfence.sel $0xFFFF  }
0xc6: {  	[dreg:$0x0] =	wrdreg $0xFFFFFFFF;
	(pc) =	sbr.abs _section_cstart, $3  }
0xc7: {  	[dreg:$0x1] =	wrdreg $0xFFFFFFFF  }
0xc8: {  	_ =	task.clear_ibuf [dreg:s8], $0x2FFFF;
	_ =	strace $0x9FFFFFFF  }
0xc9: {  	(tm) =	ssettm $0x7FFFFFFF  }
tec
execute0_lowered:
.L_overlay_start_1:
0x0: {  	(tag) =	ssettag $0x1  }
0x1: {  	s0 =	rddreg [dreg:$0x0]  }
0x2: {  	s1 =	rddreg [dreg:$0x1]  }
0x3: {  	s2 =	srdreg.scid;
	s5 =	stileid.u32  }
0x4: {  	s3 =	rddreg [dreg:$0x2];
	s10 =	simm.s32 $0x8400;
	s9 =	simm.s32 $0xC400  }
0x5: {  	s4 =	sand.u32 $0x1, s2;
	s5 =	sshll.u32 s5, $0x1;
	s2 =	simm.s32 $0x0  }
0x6: {  	p0 =	por $0x0, $0x0;
	s5 =	sor.u32 s4, s5;
	[smem:$0x7FF] =	sst s2  }
0x7: {  	s18 =	ssub.s32 $0x2, s4;
	s6 =	sshll.u32 s5, $0x7;
	s5 =	sshll.u32 s5, $0xE  }
0x8: {  	_ =	strace $0x80000047;
	s4 =	sshrl.u32 s18, $0x1;
	s0 =	sadd.s32 s0, s6  }
0x9: {  	s5 =	sadd.s32 s5, s1;
	s1 =	sadd.s32 s6, s1;
	[dreg:$0x4] =	wrdreg s0  }
0xa: {  	s11 =	sadd.s32 $0x3A00, s5;
	s12 =	sadd.s32 $0x2A00, s1;
	s13 =	sadd.s32 $0x83A00, s5  }
0xb: {  	s14 =	sadd.s32 $0x1A00, s1;
	s15 =	sadd.s32 $0x103A00, s5;
	s16 =	sadd.s32 $0x4200, s5  }
0xc: {  	s17 =	sadd.s32 $0x4A00, s5;
	s19 =	sadd.s32 $0x5200, s5;
	[dreg:$0x5] =	wrdreg s11  }
0xd: {  	s20 =	sadd.s32 $0x5A00, s5;
	s1 =	ssub.s32 s18, s4;
	[dreg:$0x6] =	wrdreg s12  }
0xe: {  	s21 =	sadd.s32 $0x6200, s5;
	s22 =	sadd.s32 $0x6A00, s5;
	[dreg:$0x7] =	wrdreg s13  }
0xf: {  	s23 =	sadd.s32 $0x7200, s5;
	s24 =	sadd.s32 $0x84200, s5;
	[dreg:$0x8] =	wrdreg s14  }
0x10: {  	s31 =	sadd.s32 $0x84A00, s5;
	s30 =	sadd.s32 $0x85200, s5;
	[dreg:$0x9] =	wrdreg s15  }
0x11: {  	s29 =	sadd.s32 $0x85A00, s5;
	s28 =	sadd.s32 $0x86200, s5;
	[dreg:$0xa] =	wrdreg s16  }
0x12: {  	s26 =	sadd.s32 $0x86A00, s5;
	s25 =	sadd.s32 $0x87200, s5;
	[dreg:$0xb] =	wrdreg s17  }
0x13: {  	s8 =	sadd.s32 $0x105A00, s5;
	s7 =	sadd.s32 $0x106200, s5;
	[dreg:$0xc] =	wrdreg s19  }
0x14: {  	s6 =	sadd.s32 $0x106A00, s5;
	s4 =	sadd.s32 $0x107200, s5;
	[dreg:$0xd] =	wrdreg s20  }
0x15: {  	s18 =	simm.s32 $0x200;
	s1 =	smax.u32 s1, $0x1;
	[dreg:$0xe] =	wrdreg s21  }
0x16: {  	s17 =	sadd.s32 $0x104200, s5;
	[dreg:$0xf] =	wrdreg s22;
	s16 =	sadd.s32 $0x104A00, s5  }
0x17: {  	s15 =	sadd.s32 $0x105200, s5;
	[dreg:$0x10] =	wrdreg s23;
	p1 =	sne.s32 s1, $0x1  }
.Ltmp0:
0x18: {  	[dreg:$0x11] =	wrdreg s24;
	s22 =	simm.s32 $0x3;
	(pc) =	sbr.rel @!p1 .LBB2_3-.Ltmp0, $4  }
0x19: {  	s14 =	simm.s32 $0x80;
	s13 =	simm.s32 $0x400;
	s11 =	simm.s32 $0x4400  }
0x1a: {  	s23 =	simm.s32 $0x100;
	s24 =	simm.s32 $0x180;
	s12 =	simm.s32 $0x1  }
0x1b: {  	s5 =	simm.s32 $0x2;
	s19 =	simm.s32 $0x280;
	s20 =	simm.s32 $0x300  }
0x1c: {  	s21 =	simm.s32 $0x380;
	s0 =	rddreg [dreg:$0x4];
	s1 =	sadd.s32 $0xFFFFFFFF, s1  }
0x1d: {  	[tilespmem:s2], [sflag:$0x3] =	stream.linear.gather [hbm4b:s0+s2], $0x400, $0x38;
	[tilespmem:$0x10400] =	vst v63  }
0x1e: {  	_ =	swait.ge [sflag:s22], $0x400  }
0x1f: {  	[sflag:s22] =	ssyncset.done $0x0  }
0x20: {  	[sflag:s22] =	ssyncadd.s32 $0xFFFFFC00  }
0x21: {  	[tilespmem:s13], [sflag:$0x1] =	stream.indirect.gather [hbm4b:s3+s14], $0x80, s2, s14, $0xb8;
	[tilespmem:$0x10400] =	vst v63  }
0x22: {  	_ = 	snop  }
0x23: {  	[tilespmem:s11], [sflag:$0x1] =	stream.indirect.gather [hbm4b:s3+s14], $0x80, s14, s14, $0xb8;
	[tilespmem:$0x10400] =	vst v63  }
0x24: {  	_ = 	snop  }
0x25: {  	[tilespmem:s10], [sflag:$0x1] =	stream.indirect.gather [hbm4b:s3+s14], $0x80, s23, s14, $0xb8;
	[tilespmem:$0x10400] =	vst v63  }
0x26: {  	_ = 	snop  }
0x27: {  	[tilespmem:s9], [sflag:$0x1] =	stream.indirect.gather [hbm4b:s3+s14], $0x80, s24, s14, $0xb8;
	[tilespmem:$0x10400] =	vst v63  }
0x28: {  	_ =	swait.ge [sflag:s12], $0x4000  }
0x29: {  	[sflag:s12] =	ssyncset.done $0x0  }
0x2a: {  	s0 =	rddreg [dreg:$0x5];
	[sflag:s12] =	ssyncadd.s32 $0xFFFFC000  }
0x2b: {  	[hbm4b:s0+s2] =	stream.linear.scatter [tilespmem:s13], [sflag:$0x2], $0x4000, $0x38;
	[tilespmem:$0x10400] =	vst v63  }
0x2c: {  	_ =	swait.ge [sflag:s12], $0x4000  }
0x2d: {  	[sflag:s12] =	ssyncset.done $0x0  }
0x2e: {  	s0 =	rddreg [dreg:$0xa];
	[sflag:s12] =	ssyncadd.s32 $0xFFFFC000  }
0x2f: {  	[hbm4b:s0+s2] =	stream.linear.scatter [tilespmem:s11], [sflag:$0x2], $0x4000, $0x38;
	[tilespmem:$0x10400] =	vst v63  }
0x30: {  	_ =	swait.ge [sflag:s12], $0x4000  }
0x31: {  	[sflag:s12] =	ssyncset.done $0x0  }
0x32: {  	s0 =	rddreg [dreg:$0xb];
	[sflag:s12] =	ssyncadd.s32 $0xFFFFC000  }
0x33: {  	[hbm4b:s0+s2] =	stream.linear.scatter [tilespmem:s10], [sflag:$0x2], $0x4000, $0x38;
	[tilespmem:$0x10400] =	vst v63  }
0x34: {  	_ =	swait.ge [sflag:s12], $0x4000  }
0x35: {  	[sflag:s12] =	ssyncset.done $0x0  }
0x36: {  	s0 =	rddreg [dreg:$0xc];
	[sflag:s12] =	ssyncadd.s32 $0xFFFFC000  }
0x37: {  	[hbm4b:s0+s2] =	stream.linear.scatter [tilespmem:s9], [sflag:$0x2], $0x4000, $0x38;
	[tilespmem:$0x10400] =	vst v63  }
0x38: {  	_ =	swait.ge [sflag:s5], $0x4000  }
0x39: {  	[sflag:s5] =	ssyncset.done $0x0  }
0x3a: {  	[sflag:s5] =	ssyncadd.s32 $0xFFFFC000  }
0x3b: {  	_ =	swait.ge [sflag:s5], $0x4000  }
0x3c: {  	[sflag:s5] =	ssyncset.done $0x0  }
0x3d: {  	[sflag:s5] =	ssyncadd.s32 $0xFFFFC000  }
0x3e: {  	_ =	swait.ge [sflag:s5], $0x4000  }
0x3f: {  	[sflag:s5] =	ssyncset.done $0x0  }
0x40: {  	[sflag:s5] =	ssyncadd.s32 $0xFFFFC000  }
0x41: {  	_ =	swait.ge [sflag:s5], $0x4000  }
0x42: {  	[sflag:s5] =	ssyncset.done $0x0  }
0x43: {  	[sflag:s5] =	ssyncadd.s32 $0xFFFFC000  }
0x44: {  	[tilespmem:s13], [sflag:$0x1] =	stream.indirect.gather [hbm4b:s3+s14], $0x80, s18, s14, $0xb8;
	[tilespmem:$0x10400] =	vst v63  }
0x45: {  	_ = 	snop  }
0x46: {  	[tilespmem:s11], [sflag:$0x1] =	stream.indirect.gather [hbm4b:s3+s14], $0x80, s19, s14, $0xb8;
	[tilespmem:$0x10400] =	vst v63  }
0x47: {  	_ = 	snop  }
0x48: {  	[tilespmem:s10], [sflag:$0x1] =	stream.indirect.gather [hbm4b:s3+s14], $0x80, s20, s14, $0xb8;
	[tilespmem:$0x10400] =	vst v63  }
0x49: {  	_ = 	snop  }
0x4a: {  	[tilespmem:s9], [sflag:$0x1] =	stream.indirect.gather [hbm4b:s3+s14], $0x80, s21, s14, $0xb8;
	[tilespmem:$0x10400] =	vst v63  }
0x4b: {  	_ =	swait.ge [sflag:s12], $0x4000  }
0x4c: {  	[sflag:s12] =	ssyncset.done $0x0  }
0x4d: {  	s0 =	rddreg [dreg:$0xd];
	[sflag:s12] =	ssyncadd.s32 $0xFFFFC000  }
0x4e: {  	[hbm4b:s0+s2] =	stream.linear.scatter [tilespmem:s13], [sflag:$0x2], $0x4000, $0x38;
	[tilespmem:$0x10400] =	vst v63  }
0x4f: {  	_ =	swait.ge [sflag:s12], $0x4000  }
0x50: {  	[sflag:s12] =	ssyncset.done $0x0  }
0x51: {  	s0 =	rddreg [dreg:$0xe];
	[sflag:s12] =	ssyncadd.s32 $0xFFFFC000  }
0x52: {  	[hbm4b:s0+s2] =	stream.linear.scatter [tilespmem:s11], [sflag:$0x2], $0x4000, $0x38;
	[tilespmem:$0x10400] =	vst v63  }
0x53: {  	_ =	swait.ge [sflag:s12], $0x4000  }
0x54: {  	[sflag:s12] =	ssyncset.done $0x0  }
0x55: {  	s0 =	rddreg [dreg:$0xf];
	[sflag:s12] =	ssyncadd.s32 $0xFFFFC000  }
0x56: {  	[hbm4b:s0+s2] =	stream.linear.scatter [tilespmem:s10], [sflag:$0x2], $0x4000, $0x38;
	[tilespmem:$0x10400] =	vst v63  }
0x57: {  	_ =	swait.ge [sflag:s12], $0x4000  }
0x58: {  	[sflag:s12] =	ssyncset.done $0x0  }
0x59: {  	s0 =	rddreg [dreg:$0x10];
	[sflag:s12] =	ssyncadd.s32 $0xFFFFC000  }
0x5a: {  	[hbm4b:s0+s2] =	stream.linear.scatter [tilespmem:s9], [sflag:$0x2], $0x4000, $0x38;
	[tilespmem:$0x10400] =	vst v63  }
0x5b: {  	_ =	swait.ge [sflag:s5], $0x4000  }
0x5c: {  	[sflag:s5] =	ssyncset.done $0x0  }
0x5d: {  	[sflag:s5] =	ssyncadd.s32 $0xFFFFC000  }
0x5e: {  	_ =	swait.ge [sflag:s5], $0x4000  }
0x5f: {  	[sflag:s5] =	ssyncset.done $0x0  }
0x60: {  	[sflag:s5] =	ssyncadd.s32 $0xFFFFC000  }
0x61: {  	_ =	swait.ge [sflag:s5], $0x4000  }
0x62: {  	[sflag:s5] =	ssyncset.done $0x0  }
0x63: {  	[sflag:s5] =	ssyncadd.s32 $0xFFFFC000  }
0x64: {  	_ =	swait.ge [sflag:s5], $0x4000  }
0x65: {  	[sflag:s5] =	ssyncset.done $0x0  }
0x66: {  	s0 =	rddreg [dreg:$0x6];
	[sflag:s5] =	ssyncadd.s32 $0xFFFFC000  }
0x67: {  	[tilespmem:s2], [sflag:$0x3] =	stream.linear.gather [hbm4b:s0+s2], $0x400, $0x38;
	[tilespmem:$0x10400] =	vst v63  }
0x68: {  	_ =	swait.ge [sflag:s22], $0x400  }
0x69: {  	[sflag:s22] =	ssyncset.done $0x0  }
0x6a: {  	[sflag:s22] =	ssyncadd.s32 $0xFFFFFC00  }
0x6b: {  	[tilespmem:s13], [sflag:$0x1] =	stream.indirect.gather [hbm4b:s3+s14], $0x80, s2, s14, $0xb8;
	[tilespmem:$0x10400] =	vst v63  }
0x6c: {  	_ = 	snop  }
0x6d: {  	[tilespmem:s11], [sflag:$0x1] =	stream.indirect.gather [hbm4b:s3+s14], $0x80, s14, s14, $0xb8;
	[tilespmem:$0x10400] =	vst v63  }
0x6e: {  	_ = 	snop  }
0x6f: {  	[tilespmem:s10], [sflag:$0x1] =	stream.indirect.gather [hbm4b:s3+s14], $0x80, s23, s14, $0xb8;
	[tilespmem:$0x10400] =	vst v63  }
0x70: {  	_ = 	snop  }
0x71: {  	[tilespmem:s9], [sflag:$0x1] =	stream.indirect.gather [hbm4b:s3+s14], $0x80, s24, s14, $0xb8;
	[tilespmem:$0x10400] =	vst v63  }
0x72: {  	_ =	swait.ge [sflag:s12], $0x4000  }
0x73: {  	[sflag:s12] =	ssyncset.done $0x0  }
0x74: {  	s0 =	rddreg [dreg:$0x7];
	[sflag:s12] =	ssyncadd.s32 $0xFFFFC000  }
0x75: {  	[hbm4b:s0+s2] =	stream.linear.scatter [tilespmem:s13], [sflag:$0x2], $0x4000, $0x38;
	[tilespmem:$0x10400] =	vst v63  }
0x76: {  	_ =	swait.ge [sflag:s12], $0x4000  }
0x77: {  	[sflag:s12] =	ssyncset.done $0x0  }
0x78: {  	s0 =	rddreg [dreg:$0x11];
	[sflag:s12] =	ssyncadd.s32 $0xFFFFC000  }
0x79: {  	[hbm4b:s0+s2] =	stream.linear.scatter [tilespmem:s11], [sflag:$0x2], $0x4000, $0x38;
	[tilespmem:$0x10400] =	vst v63  }
0x7a: {  	_ =	swait.ge [sflag:s12], $0x4000  }
0x7b: {  	[sflag:s12] =	ssyncset.done $0x0  }
0x7c: {  	[sflag:s12] =	ssyncadd.s32 $0xFFFFC000  }
0x7d: {  	[hbm4b:s31+s2] =	stream.linear.scatter [tilespmem:s10], [sflag:$0x2], $0x4000, $0x38;
	[tilespmem:$0x10400] =	vst v63  }
0x7e: {  	_ =	swait.ge [sflag:s12], $0x4000  }
0x7f: {  	[sflag:s12] =	ssyncset.done $0x0  }
0x80: {  	[sflag:s12] =	ssyncadd.s32 $0xFFFFC000  }
0x81: {  	[hbm4b:s30+s2] =	stream.linear.scatter [tilespmem:s9], [sflag:$0x2], $0x4000, $0x38;
	[tilespmem:$0x10400] =	vst v63  }
0x82: {  	_ =	swait.ge [sflag:s5], $0x4000  }
0x83: {  	[sflag:s5] =	ssyncset.done $0x0  }
0x84: {  	[sflag:s5] =	ssyncadd.s32 $0xFFFFC000  }
0x85: {  	_ =	swait.ge [sflag:s5], $0x4000  }
0x86: {  	[sflag:s5] =	ssyncset.done $0x0  }
0x87: {  	[sflag:s5] =	ssyncadd.s32 $0xFFFFC000  }
0x88: {  	_ =	swait.ge [sflag:s5], $0x4000  }
0x89: {  	[sflag:s5] =	ssyncset.done $0x0  }
0x8a: {  	[sflag:s5] =	ssyncadd.s32 $0xFFFFC000  }
0x8b: {  	_ =	swait.ge [sflag:s5], $0x4000  }
0x8c: {  	[sflag:s5] =	ssyncset.done $0x0  }
0x8d: {  	[sflag:s5] =	ssyncadd.s32 $0xFFFFC000  }
0x8e: {  	[tilespmem:s13], [sflag:$0x1] =	stream.indirect.gather [hbm4b:s3+s14], $0x80, s18, s14, $0xb8;
	[tilespmem:$0x10400] =	vst v63  }
0x8f: {  	_ = 	snop  }
0x90: {  	[tilespmem:s11], [sflag:$0x1] =	stream.indirect.gather [hbm4b:s3+s14], $0x80, s19, s14, $0xb8;
	[tilespmem:$0x10400] =	vst v63  }
0x91: {  	_ = 	snop  }
0x92: {  	[tilespmem:s10], [sflag:$0x1] =	stream.indirect.gather [hbm4b:s3+s14], $0x80, s20, s14, $0xb8;
	[tilespmem:$0x10400] =	vst v63  }
0x93: {  	_ = 	snop  }
0x94: {  	[tilespmem:s9], [sflag:$0x1] =	stream.indirect.gather [hbm4b:s3+s14], $0x80, s21, s14, $0xb8;
	[tilespmem:$0x10400] =	vst v63  }
0x95: {  	_ =	swait.ge [sflag:s12], $0x4000  }
0x96: {  	[sflag:s12] =	ssyncset.done $0x0  }
0x97: {  	[sflag:s12] =	ssyncadd.s32 $0xFFFFC000  }
0x98: {  	[hbm4b:s29+s2] =	stream.linear.scatter [tilespmem:s13], [sflag:$0x2], $0x4000, $0x38;
	[tilespmem:$0x10400] =	vst v63  }
0x99: {  	_ =	swait.ge [sflag:s12], $0x4000  }
0x9a: {  	[sflag:s12] =	ssyncset.done $0x0  }
0x9b: {  	[sflag:s12] =	ssyncadd.s32 $0xFFFFC000  }
0x9c: {  	[hbm4b:s28+s2] =	stream.linear.scatter [tilespmem:s11], [sflag:$0x2], $0x4000, $0x38;
	[tilespmem:$0x10400] =	vst v63  }
0x9d: {  	_ =	swait.ge [sflag:s12], $0x4000  }
0x9e: {  	[sflag:s12] =	ssyncset.done $0x0  }
0x9f: {  	[sflag:s12] =	ssyncadd.s32 $0xFFFFC000  }
0xa0: {  	[hbm4b:s26+s2] =	stream.linear.scatter [tilespmem:s10], [sflag:$0x2], $0x4000, $0x38;
	[tilespmem:$0x10400] =	vst v63  }
0xa1: {  	_ =	swait.ge [sflag:s12], $0x4000  }
0xa2: {  	[sflag:s12] =	ssyncset.done $0x0  }
0xa3: {  	[sflag:s12] =	ssyncadd.s32 $0xFFFFC000  }
0xa4: {  	[hbm4b:s25+s2] =	stream.linear.scatter [tilespmem:s9], [sflag:$0x2], $0x4000, $0x38;
	[tilespmem:$0x10400] =	vst v63  }
0xa5: {  	_ =	swait.ge [sflag:s5], $0x4000  }
0xa6: {  	[sflag:s5] =	ssyncset.done $0x0  }
0xa7: {  	[sflag:s5] =	ssyncadd.s32 $0xFFFFC000  }
0xa8: {  	_ =	swait.ge [sflag:s5], $0x4000  }
0xa9: {  	[sflag:s5] =	ssyncset.done $0x0  }
0xaa: {  	[sflag:s5] =	ssyncadd.s32 $0xFFFFC000  }
0xab: {  	_ =	swait.ge [sflag:s5], $0x4000  }
0xac: {  	[sflag:s5] =	ssyncset.done $0x0  }
0xad: {  	[sflag:s5] =	ssyncadd.s32 $0xFFFFC000  }
0xae: {  	_ =	swait.ge [sflag:s5], $0x4000  }
0xaf: {  	[sflag:s5] =	ssyncset.done $0x0  }
0xb0: {  	s0 =	rddreg [dreg:$0x8];
	[sflag:s5] =	ssyncadd.s32 $0xFFFFC000  }
0xb1: {  	[tilespmem:s2], [sflag:$0x3] =	stream.linear.gather [hbm4b:s0+s2], $0x400, $0x38;
	[tilespmem:$0x10400] =	vst v63  }
0xb2: {  	_ =	swait.ge [sflag:s22], $0x400  }
0xb3: {  	[sflag:s22] =	ssyncset.done $0x0  }
0xb4: {  	[sflag:s22] =	ssyncadd.s32 $0xFFFFFC00  }
0xb5: {  	[tilespmem:s13], [sflag:$0x1] =	stream.indirect.gather [hbm4b:s3+s14], $0x80, s2, s14, $0xb8;
	[tilespmem:$0x10400] =	vst v63  }
0xb6: {  	_ = 	snop  }
0xb7: {  	[tilespmem:s11], [sflag:$0x1] =	stream.indirect.gather [hbm4b:s3+s14], $0x80, s14, s14, $0xb8;
	[tilespmem:$0x10400] =	vst v63  }
0xb8: {  	_ = 	snop  }
0xb9: {  	[tilespmem:s10], [sflag:$0x1] =	stream.indirect.gather [hbm4b:s3+s14], $0x80, s23, s14, $0xb8;
	[tilespmem:$0x10400] =	vst v63  }
0xba: {  	_ = 	snop  }
0xbb: {  	[tilespmem:s9], [sflag:$0x1] =	stream.indirect.gather [hbm4b:s3+s14], $0x80, s24, s14, $0xb8;
	[tilespmem:$0x10400] =	vst v63  }
0xbc: {  	_ =	swait.ge [sflag:s12], $0x4000  }
0xbd: {  	[sflag:s12] =	ssyncset.done $0x0  }
0xbe: {  	s0 =	rddreg [dreg:$0x9];
	[sflag:s12] =	ssyncadd.s32 $0xFFFFC000  }
0xbf: {  	[hbm4b:s0+s2] =	stream.linear.scatter [tilespmem:s13], [sflag:$0x2], $0x4000, $0x38;
	[tilespmem:$0x10400] =	vst v63  }
0xc0: {  	_ =	swait.ge [sflag:s12], $0x4000  }
0xc1: {  	[sflag:s12] =	ssyncset.done $0x0  }
0xc2: {  	[sflag:s12] =	ssyncadd.s32 $0xFFFFC000  }
0xc3: {  	[hbm4b:s17+s2] =	stream.linear.scatter [tilespmem:s11], [sflag:$0x2], $0x4000, $0x38;
	[tilespmem:$0x10400] =	vst v63  }
0xc4: {  	_ =	swait.ge [sflag:s12], $0x4000  }
0xc5: {  	[sflag:s12] =	ssyncset.done $0x0  }
0xc6: {  	[sflag:s12] =	ssyncadd.s32 $0xFFFFC000  }
0xc7: {  	[hbm4b:s16+s2] =	stream.linear.scatter [tilespmem:s10], [sflag:$0x2], $0x4000, $0x38;
	[tilespmem:$0x10400] =	vst v63  }
0xc8: {  	_ =	swait.ge [sflag:s12], $0x4000  }
0xc9: {  	[sflag:s12] =	ssyncset.done $0x0  }
0xca: {  	[sflag:s12] =	ssyncadd.s32 $0xFFFFC000  }
0xcb: {  	[hbm4b:s15+s2] =	stream.linear.scatter [tilespmem:s9], [sflag:$0x2], $0x4000, $0x38;
	[tilespmem:$0x10400] =	vst v63  }
0xcc: {  	_ =	swait.ge [sflag:s5], $0x4000  }
0xcd: {  	[sflag:s5] =	ssyncset.done $0x0  }
0xce: {  	[sflag:s5] =	ssyncadd.s32 $0xFFFFC000  }
0xcf: {  	_ =	swait.ge [sflag:s5], $0x4000  }
0xd0: {  	[sflag:s5] =	ssyncset.done $0x0  }
0xd1: {  	[sflag:s5] =	ssyncadd.s32 $0xFFFFC000  }
0xd2: {  	_ =	swait.ge [sflag:s5], $0x4000  }
0xd3: {  	[sflag:s5] =	ssyncset.done $0x0  }
0xd4: {  	[sflag:s5] =	ssyncadd.s32 $0xFFFFC000  }
0xd5: {  	_ =	swait.ge [sflag:s5], $0x4000  }
0xd6: {  	[sflag:s5] =	ssyncset.done $0x0  }
0xd7: {  	[sflag:s5] =	ssyncadd.s32 $0xFFFFC000  }
0xd8: {  	[tilespmem:s13], [sflag:$0x1] =	stream.indirect.gather [hbm4b:s3+s14], $0x80, s18, s14, $0xb8;
	[tilespmem:$0x10400] =	vst v63  }
0xd9: {  	_ = 	snop  }
0xda: {  	[tilespmem:s11], [sflag:$0x1] =	stream.indirect.gather [hbm4b:s3+s14], $0x80, s19, s14, $0xb8;
	[tilespmem:$0x10400] =	vst v63  }
0xdb: {  	_ = 	snop  }
0xdc: {  	[tilespmem:s10], [sflag:$0x1] =	stream.indirect.gather [hbm4b:s3+s14], $0x80, s20, s14, $0xb8;
	[tilespmem:$0x10400] =	vst v63  }
0xdd: {  	_ = 	snop  }
0xde: {  	[tilespmem:s9], [sflag:$0x1] =	stream.indirect.gather [hbm4b:s3+s14], $0x80, s21, s14, $0xb8;
	[tilespmem:$0x10400] =	vst v63  }
0xdf: {  	_ =	swait.ge [sflag:s12], $0x4000  }
0xe0: {  	[sflag:s12] =	ssyncset.done $0x0  }
0xe1: {  	[sflag:s12] =	ssyncadd.s32 $0xFFFFC000  }
0xe2: {  	[hbm4b:s8+s2] =	stream.linear.scatter [tilespmem:s13], [sflag:$0x2], $0x4000, $0x38;
	[tilespmem:$0x10400] =	vst v63  }
0xe3: {  	_ =	swait.ge [sflag:s12], $0x4000  }
0xe4: {  	[sflag:s12] =	ssyncset.done $0x0  }
0xe5: {  	[sflag:s12] =	ssyncadd.s32 $0xFFFFC000  }
0xe6: {  	[hbm4b:s7+s2] =	stream.linear.scatter [tilespmem:s11], [sflag:$0x2], $0x4000, $0x38;
	[tilespmem:$0x10400] =	vst v63  }
0xe7: {  	_ =	swait.ge [sflag:s12], $0x4000  }
0xe8: {  	[sflag:s12] =	ssyncset.done $0x0  }
0xe9: {  	[sflag:s12] =	ssyncadd.s32 $0xFFFFC000  }
0xea: {  	[hbm4b:s6+s2] =	stream.linear.scatter [tilespmem:s10], [sflag:$0x2], $0x4000, $0x38;
	[tilespmem:$0x10400] =	vst v63  }
0xeb: {  	_ =	swait.ge [sflag:s12], $0x4000  }
0xec: {  	[sflag:s12] =	ssyncset.done $0x0  }
0xed: {  	[sflag:s12] =	ssyncadd.s32 $0xFFFFC000  }
0xee: {  	[hbm4b:s4+s2] =	stream.linear.scatter [tilespmem:s9], [sflag:$0x2], $0x4000, $0x38;
	[tilespmem:$0x10400] =	vst v63  }
0xef: {  	_ =	swait.ge [sflag:s5], $0x4000  }
0xf0: {  	[sflag:s5] =	ssyncset.done $0x0  }
0xf1: {  	[sflag:s5] =	ssyncadd.s32 $0xFFFFC000  }
0xf2: {  	_ =	swait.ge [sflag:s5], $0x4000  }
0xf3: {  	[sflag:s5] =	ssyncset.done $0x0  }
0xf4: {  	p1 =	sne.s32 s1, $0x1;
	[sflag:s5] =	ssyncadd.s32 $0xFFFFC000  }
.Ltmp1:
0xf5: {  	_ =	swait.ge [sflag:s5], $0x4000;
	(pc) =	sbr.rel @!p1 .LBB2_3-.Ltmp1, $4  }
0xf6: {  	[sflag:s5] =	ssyncset.done $0x0  }
0xf7: {  	[sflag:s5] =	ssyncadd.s32 $0xFFFFC000  }
0xf8: {  	s1 =	sadd.s32 $0xFFFFFFFF, s1;
	_ =	swait.ge [sflag:s5], $0x4000  }
0xf9: {  	p0 =	por $0x1, $0x1;
	s0 =	rddreg [dreg:$0x4];
	[sflag:s5] =	ssyncset.done $0x0  }
.LBB2_2:
0xfa: {  	[sflag:s5] =	ssyncadd.s32 $0xFFFFC000  }
0xfb: {  	[tilespmem:s2], [sflag:$0x3] =	stream.linear.gather [hbm4b:s0+s2], $0x400, $0x38;
	[tilespmem:$0x10400] =	vst v63  }
0xfc: {  	_ =	swait.ge [sflag:s22], $0x400  }
0xfd: {  	[sflag:s22] =	ssyncset.done $0x0  }
0xfe: {  	[sflag:s22] =	ssyncadd.s32 $0xFFFFFC00  }
0xff: {  	[tilespmem:s13], [sflag:$0x1] =	stream.indirect.gather [hbm4b:s3+s14], $0x80, s2, s14, $0xb8;
	[tilespmem:$0x10400] =	vst v63  }
0x100: {  	_ = 	snop  }
0x101: {  	[tilespmem:s11], [sflag:$0x1] =	stream.indirect.gather [hbm4b:s3+s14], $0x80, s14, s14, $0xb8;
	[tilespmem:$0x10400] =	vst v63  }
0x102: {  	_ = 	snop  }
0x103: {  	[tilespmem:s10], [sflag:$0x1] =	stream.indirect.gather [hbm4b:s3+s14], $0x80, s23, s14, $0xb8;
	[tilespmem:$0x10400] =	vst v63  }
0x104: {  	_ = 	snop  }
0x105: {  	[tilespmem:s9], [sflag:$0x1] =	stream.indirect.gather [hbm4b:s3+s14], $0x80, s24, s14, $0xb8;
	[tilespmem:$0x10400] =	vst v63  }
0x106: {  	_ =	swait.ge [sflag:s12], $0x4000  }
0x107: {  	[sflag:s12] =	ssyncset.done $0x0  }
0x108: {  	s0 =	rddreg [dreg:$0x5];
	[sflag:s12] =	ssyncadd.s32 $0xFFFFC000  }
0x109: {  	[hbm4b:s0+s2] =	stream.linear.scatter [tilespmem:s13], [sflag:$0x2], $0x4000, $0x38;
	[tilespmem:$0x10400] =	vst v63  }
0x10a: {  	_ =	swait.ge [sflag:s12], $0x4000  }
0x10b: {  	[sflag:s12] =	ssyncset.done $0x0  }
0x10c: {  	s0 =	rddreg [dreg:$0xa];
	[sflag:s12] =	ssyncadd.s32 $0xFFFFC000  }
0x10d: {  	[hbm4b:s0+s2] =	stream.linear.scatter [tilespmem:s11], [sflag:$0x2], $0x4000, $0x38;
	[tilespmem:$0x10400] =	vst v63  }
0x10e: {  	_ =	swait.ge [sflag:s12], $0x4000  }
0x10f: {  	[sflag:s12] =	ssyncset.done $0x0  }
0x110: {  	s0 =	rddreg [dreg:$0xb];
	[sflag:s12] =	ssyncadd.s32 $0xFFFFC000  }
0x111: {  	[hbm4b:s0+s2] =	stream.linear.scatter [tilespmem:s10], [sflag:$0x2], $0x4000, $0x38;
	[tilespmem:$0x10400] =	vst v63  }
0x112: {  	_ =	swait.ge [sflag:s12], $0x4000  }
0x113: {  	[sflag:s12] =	ssyncset.done $0x0  }
0x114: {  	s0 =	rddreg [dreg:$0xc];
	[sflag:s12] =	ssyncadd.s32 $0xFFFFC000  }
0x115: {  	[hbm4b:s0+s2] =	stream.linear.scatter [tilespmem:s9], [sflag:$0x2], $0x4000, $0x38;
	[tilespmem:$0x10400] =	vst v63  }
0x116: {  	_ =	swait.ge [sflag:s5], $0x4000  }
0x117: {  	[sflag:s5] =	ssyncset.done $0x0  }
0x118: {  	[sflag:s5] =	ssyncadd.s32 $0xFFFFC000  }
0x119: {  	_ =	swait.ge [sflag:s5], $0x4000  }
0x11a: {  	[sflag:s5] =	ssyncset.done $0x0  }
0x11b: {  	[sflag:s5] =	ssyncadd.s32 $0xFFFFC000  }
0x11c: {  	_ =	swait.ge [sflag:s5], $0x4000  }
0x11d: {  	[sflag:s5] =	ssyncset.done $0x0  }
0x11e: {  	[sflag:s5] =	ssyncadd.s32 $0xFFFFC000  }
0x11f: {  	_ =	swait.ge [sflag:s5], $0x4000  }
0x120: {  	[sflag:s5] =	ssyncset.done $0x0  }
0x121: {  	[sflag:s5] =	ssyncadd.s32 $0xFFFFC000  }
0x122: {  	[tilespmem:s13], [sflag:$0x1] =	stream.indirect.gather [hbm4b:s3+s14], $0x80, s18, s14, $0xb8;
	[tilespmem:$0x10400] =	vst v63  }
0x123: {  	_ = 	snop  }
0x124: {  	[tilespmem:s11], [sflag:$0x1] =	stream.indirect.gather [hbm4b:s3+s14], $0x80, s19, s14, $0xb8;
	[tilespmem:$0x10400] =	vst v63  }
0x125: {  	_ = 	snop  }
0x126: {  	[tilespmem:s10], [sflag:$0x1] =	stream.indirect.gather [hbm4b:s3+s14], $0x80, s20, s14, $0xb8;
	[tilespmem:$0x10400] =	vst v63  }
0x127: {  	_ = 	snop  }
0x128: {  	[tilespmem:s9], [sflag:$0x1] =	stream.indirect.gather [hbm4b:s3+s14], $0x80, s21, s14, $0xb8;
	[tilespmem:$0x10400] =	vst v63  }
0x129: {  	_ =	swait.ge [sflag:s12], $0x4000  }
0x12a: {  	[sflag:s12] =	ssyncset.done $0x0  }
0x12b: {  	s0 =	rddreg [dreg:$0xd];
	[sflag:s12] =	ssyncadd.s32 $0xFFFFC000  }
0x12c: {  	[hbm4b:s0+s2] =	stream.linear.scatter [tilespmem:s13], [sflag:$0x2], $0x4000, $0x38;
	[tilespmem:$0x10400] =	vst v63  }
0x12d: {  	_ =	swait.ge [sflag:s12], $0x4000  }
0x12e: {  	[sflag:s12] =	ssyncset.done $0x0  }
0x12f: {  	s0 =	rddreg [dreg:$0xe];
	[sflag:s12] =	ssyncadd.s32 $0xFFFFC000  }
0x130: {  	[hbm4b:s0+s2] =	stream.linear.scatter [tilespmem:s11], [sflag:$0x2], $0x4000, $0x38;
	[tilespmem:$0x10400] =	vst v63  }
0x131: {  	_ =	swait.ge [sflag:s12], $0x4000  }
0x132: {  	[sflag:s12] =	ssyncset.done $0x0  }
0x133: {  	s0 =	rddreg [dreg:$0xf];
	[sflag:s12] =	ssyncadd.s32 $0xFFFFC000  }
0x134: {  	[hbm4b:s0+s2] =	stream.linear.scatter [tilespmem:s10], [sflag:$0x2], $0x4000, $0x38;
	[tilespmem:$0x10400] =	vst v63  }
0x135: {  	_ =	swait.ge [sflag:s12], $0x4000  }
0x136: {  	[sflag:s12] =	ssyncset.done $0x0  }
0x137: {  	s0 =	rddreg [dreg:$0x10];
	[sflag:s12] =	ssyncadd.s32 $0xFFFFC000  }
0x138: {  	[hbm4b:s0+s2] =	stream.linear.scatter [tilespmem:s9], [sflag:$0x2], $0x4000, $0x38;
	[tilespmem:$0x10400] =	vst v63  }
0x139: {  	_ =	swait.ge [sflag:s5], $0x4000  }
0x13a: {  	[sflag:s5] =	ssyncset.done $0x0  }
0x13b: {  	[sflag:s5] =	ssyncadd.s32 $0xFFFFC000  }
0x13c: {  	_ =	swait.ge [sflag:s5], $0x4000  }
0x13d: {  	[sflag:s5] =	ssyncset.done $0x0  }
0x13e: {  	[sflag:s5] =	ssyncadd.s32 $0xFFFFC000  }
0x13f: {  	_ =	swait.ge [sflag:s5], $0x4000  }
0x140: {  	[sflag:s5] =	ssyncset.done $0x0  }
0x141: {  	[sflag:s5] =	ssyncadd.s32 $0xFFFFC000  }
0x142: {  	_ =	swait.ge [sflag:s5], $0x4000  }
0x143: {  	[sflag:s5] =	ssyncset.done $0x0  }
0x144: {  	s0 =	rddreg [dreg:$0x6];
	[sflag:s5] =	ssyncadd.s32 $0xFFFFC000  }
0x145: {  	[tilespmem:s2], [sflag:$0x3] =	stream.linear.gather [hbm4b:s0+s2], $0x400, $0x38;
	[tilespmem:$0x10400] =	vst v63  }
0x146: {  	_ =	swait.ge [sflag:s22], $0x400  }
0x147: {  	[sflag:s22] =	ssyncset.done $0x0  }
0x148: {  	[sflag:s22] =	ssyncadd.s32 $0xFFFFFC00  }
0x149: {  	[tilespmem:s13], [sflag:$0x1] =	stream.indirect.gather [hbm4b:s3+s14], $0x80, s2, s14, $0xb8;
	[tilespmem:$0x10400] =	vst v63  }
0x14a: {  	_ = 	snop  }
0x14b: {  	[tilespmem:s11], [sflag:$0x1] =	stream.indirect.gather [hbm4b:s3+s14], $0x80, s14, s14, $0xb8;
	[tilespmem:$0x10400] =	vst v63  }
0x14c: {  	_ = 	snop  }
0x14d: {  	[tilespmem:s10], [sflag:$0x1] =	stream.indirect.gather [hbm4b:s3+s14], $0x80, s23, s14, $0xb8;
	[tilespmem:$0x10400] =	vst v63  }
0x14e: {  	_ = 	snop  }
0x14f: {  	[tilespmem:s9], [sflag:$0x1] =	stream.indirect.gather [hbm4b:s3+s14], $0x80, s24, s14, $0xb8;
	[tilespmem:$0x10400] =	vst v63  }
0x150: {  	_ =	swait.ge [sflag:s12], $0x4000  }
0x151: {  	[sflag:s12] =	ssyncset.done $0x0  }
0x152: {  	s0 =	rddreg [dreg:$0x7];
	[sflag:s12] =	ssyncadd.s32 $0xFFFFC000  }
0x153: {  	[hbm4b:s0+s2] =	stream.linear.scatter [tilespmem:s13], [sflag:$0x2], $0x4000, $0x38;
	[tilespmem:$0x10400] =	vst v63  }
0x154: {  	_ =	swait.ge [sflag:s12], $0x4000  }
0x155: {  	[sflag:s12] =	ssyncset.done $0x0  }
0x156: {  	s0 =	rddreg [dreg:$0x11];
	[sflag:s12] =	ssyncadd.s32 $0xFFFFC000  }
0x157: {  	[hbm4b:s0+s2] =	stream.linear.scatter [tilespmem:s11], [sflag:$0x2], $0x4000, $0x38;
	[tilespmem:$0x10400] =	vst v63  }
0x158: {  	_ =	swait.ge [sflag:s12], $0x4000  }
0x159: {  	[sflag:s12] =	ssyncset.done $0x0  }
0x15a: {  	[sflag:s12] =	ssyncadd.s32 $0xFFFFC000  }
0x15b: {  	[hbm4b:s31+s2] =	stream.linear.scatter [tilespmem:s10], [sflag:$0x2], $0x4000, $0x38;
	[tilespmem:$0x10400] =	vst v63  }
0x15c: {  	_ =	swait.ge [sflag:s12], $0x4000  }
0x15d: {  	[sflag:s12] =	ssyncset.done $0x0  }
0x15e: {  	[sflag:s12] =	ssyncadd.s32 $0xFFFFC000  }
0x15f: {  	[hbm4b:s30+s2] =	stream.linear.scatter [tilespmem:s9], [sflag:$0x2], $0x4000, $0x38;
	[tilespmem:$0x10400] =	vst v63  }
0x160: {  	_ =	swait.ge [sflag:s5], $0x4000  }
0x161: {  	[sflag:s5] =	ssyncset.done $0x0  }
0x162: {  	[sflag:s5] =	ssyncadd.s32 $0xFFFFC000  }
0x163: {  	_ =	swait.ge [sflag:s5], $0x4000  }
0x164: {  	[sflag:s5] =	ssyncset.done $0x0  }
0x165: {  	[sflag:s5] =	ssyncadd.s32 $0xFFFFC000  }
0x166: {  	_ =	swait.ge [sflag:s5], $0x4000  }
0x167: {  	[sflag:s5] =	ssyncset.done $0x0  }
0x168: {  	[sflag:s5] =	ssyncadd.s32 $0xFFFFC000  }
0x169: {  	_ =	swait.ge [sflag:s5], $0x4000  }
0x16a: {  	[sflag:s5] =	ssyncset.done $0x0  }
0x16b: {  	[sflag:s5] =	ssyncadd.s32 $0xFFFFC000  }
0x16c: {  	[tilespmem:s13], [sflag:$0x1] =	stream.indirect.gather [hbm4b:s3+s14], $0x80, s18, s14, $0xb8;
	[tilespmem:$0x10400] =	vst v63  }
0x16d: {  	_ = 	snop  }
0x16e: {  	[tilespmem:s11], [sflag:$0x1] =	stream.indirect.gather [hbm4b:s3+s14], $0x80, s19, s14, $0xb8;
	[tilespmem:$0x10400] =	vst v63  }
0x16f: {  	_ = 	snop  }
0x170: {  	[tilespmem:s10], [sflag:$0x1] =	stream.indirect.gather [hbm4b:s3+s14], $0x80, s20, s14, $0xb8;
	[tilespmem:$0x10400] =	vst v63  }
0x171: {  	_ = 	snop  }
0x172: {  	[tilespmem:s9], [sflag:$0x1] =	stream.indirect.gather [hbm4b:s3+s14], $0x80, s21, s14, $0xb8;
	[tilespmem:$0x10400] =	vst v63  }
0x173: {  	_ =	swait.ge [sflag:s12], $0x4000  }
0x174: {  	[sflag:s12] =	ssyncset.done $0x0  }
0x175: {  	[sflag:s12] =	ssyncadd.s32 $0xFFFFC000  }
0x176: {  	[hbm4b:s29+s2] =	stream.linear.scatter [tilespmem:s13], [sflag:$0x2], $0x4000, $0x38;
	[tilespmem:$0x10400] =	vst v63  }
0x177: {  	_ =	swait.ge [sflag:s12], $0x4000  }
0x178: {  	[sflag:s12] =	ssyncset.done $0x0  }
0x179: {  	[sflag:s12] =	ssyncadd.s32 $0xFFFFC000  }
0x17a: {  	[hbm4b:s28+s2] =	stream.linear.scatter [tilespmem:s11], [sflag:$0x2], $0x4000, $0x38;
	[tilespmem:$0x10400] =	vst v63  }
0x17b: {  	_ =	swait.ge [sflag:s12], $0x4000  }
0x17c: {  	[sflag:s12] =	ssyncset.done $0x0  }
0x17d: {  	[sflag:s12] =	ssyncadd.s32 $0xFFFFC000  }
0x17e: {  	[hbm4b:s26+s2] =	stream.linear.scatter [tilespmem:s10], [sflag:$0x2], $0x4000, $0x38;
	[tilespmem:$0x10400] =	vst v63  }
0x17f: {  	_ =	swait.ge [sflag:s12], $0x4000  }
0x180: {  	[sflag:s12] =	ssyncset.done $0x0  }
0x181: {  	[sflag:s12] =	ssyncadd.s32 $0xFFFFC000  }
0x182: {  	[hbm4b:s25+s2] =	stream.linear.scatter [tilespmem:s9], [sflag:$0x2], $0x4000, $0x38;
	[tilespmem:$0x10400] =	vst v63  }
0x183: {  	_ =	swait.ge [sflag:s5], $0x4000  }
0x184: {  	[sflag:s5] =	ssyncset.done $0x0  }
0x185: {  	[sflag:s5] =	ssyncadd.s32 $0xFFFFC000  }
0x186: {  	_ =	swait.ge [sflag:s5], $0x4000  }
0x187: {  	[sflag:s5] =	ssyncset.done $0x0  }
0x188: {  	[sflag:s5] =	ssyncadd.s32 $0xFFFFC000  }
0x189: {  	_ =	swait.ge [sflag:s5], $0x4000  }
0x18a: {  	[sflag:s5] =	ssyncset.done $0x0  }
0x18b: {  	[sflag:s5] =	ssyncadd.s32 $0xFFFFC000  }
0x18c: {  	_ =	swait.ge [sflag:s5], $0x4000  }
0x18d: {  	[sflag:s5] =	ssyncset.done $0x0  }
0x18e: {  	s0 =	rddreg [dreg:$0x8];
	[sflag:s5] =	ssyncadd.s32 $0xFFFFC000  }
0x18f: {  	[tilespmem:s2], [sflag:$0x3] =	stream.linear.gather [hbm4b:s0+s2], $0x400, $0x38;
	[tilespmem:$0x10400] =	vst v63  }
0x190: {  	_ =	swait.ge [sflag:s22], $0x400  }
0x191: {  	[sflag:s22] =	ssyncset.done $0x0  }
0x192: {  	[sflag:s22] =	ssyncadd.s32 $0xFFFFFC00  }
0x193: {  	[tilespmem:s13], [sflag:$0x1] =	stream.indirect.gather [hbm4b:s3+s14], $0x80, s2, s14, $0xb8;
	[tilespmem:$0x10400] =	vst v63  }
0x194: {  	_ = 	snop  }
0x195: {  	[tilespmem:s11], [sflag:$0x1] =	stream.indirect.gather [hbm4b:s3+s14], $0x80, s14, s14, $0xb8;
	[tilespmem:$0x10400] =	vst v63  }
0x196: {  	_ = 	snop  }
0x197: {  	[tilespmem:s10], [sflag:$0x1] =	stream.indirect.gather [hbm4b:s3+s14], $0x80, s23, s14, $0xb8;
	[tilespmem:$0x10400] =	vst v63  }
0x198: {  	_ = 	snop  }
0x199: {  	[tilespmem:s9], [sflag:$0x1] =	stream.indirect.gather [hbm4b:s3+s14], $0x80, s24, s14, $0xb8;
	[tilespmem:$0x10400] =	vst v63  }
0x19a: {  	_ =	swait.ge [sflag:s12], $0x4000  }
0x19b: {  	[sflag:s12] =	ssyncset.done $0x0  }
0x19c: {  	s0 =	rddreg [dreg:$0x9];
	[sflag:s12] =	ssyncadd.s32 $0xFFFFC000  }
0x19d: {  	[hbm4b:s0+s2] =	stream.linear.scatter [tilespmem:s13], [sflag:$0x2], $0x4000, $0x38;
	[tilespmem:$0x10400] =	vst v63  }
0x19e: {  	_ =	swait.ge [sflag:s12], $0x4000  }
0x19f: {  	[sflag:s12] =	ssyncset.done $0x0  }
0x1a0: {  	[sflag:s12] =	ssyncadd.s32 $0xFFFFC000  }
0x1a1: {  	[hbm4b:s17+s2] =	stream.linear.scatter [tilespmem:s11], [sflag:$0x2], $0x4000, $0x38;
	[tilespmem:$0x10400] =	vst v63  }
0x1a2: {  	_ =	swait.ge [sflag:s12], $0x4000  }
0x1a3: {  	[sflag:s12] =	ssyncset.done $0x0  }
0x1a4: {  	[sflag:s12] =	ssyncadd.s32 $0xFFFFC000  }
0x1a5: {  	[hbm4b:s16+s2] =	stream.linear.scatter [tilespmem:s10], [sflag:$0x2], $0x4000, $0x38;
	[tilespmem:$0x10400] =	vst v63  }
0x1a6: {  	_ =	swait.ge [sflag:s12], $0x4000  }
0x1a7: {  	[sflag:s12] =	ssyncset.done $0x0  }
0x1a8: {  	[sflag:s12] =	ssyncadd.s32 $0xFFFFC000  }
0x1a9: {  	[hbm4b:s15+s2] =	stream.linear.scatter [tilespmem:s9], [sflag:$0x2], $0x4000, $0x38;
	[tilespmem:$0x10400] =	vst v63  }
0x1aa: {  	_ =	swait.ge [sflag:s5], $0x4000  }
0x1ab: {  	[sflag:s5] =	ssyncset.done $0x0  }
0x1ac: {  	[sflag:s5] =	ssyncadd.s32 $0xFFFFC000  }
0x1ad: {  	_ =	swait.ge [sflag:s5], $0x4000  }
0x1ae: {  	[sflag:s5] =	ssyncset.done $0x0  }
0x1af: {  	[sflag:s5] =	ssyncadd.s32 $0xFFFFC000  }
0x1b0: {  	_ =	swait.ge [sflag:s5], $0x4000  }
0x1b1: {  	[sflag:s5] =	ssyncset.done $0x0  }
0x1b2: {  	[sflag:s5] =	ssyncadd.s32 $0xFFFFC000  }
0x1b3: {  	_ =	swait.ge [sflag:s5], $0x4000  }
0x1b4: {  	[sflag:s5] =	ssyncset.done $0x0  }
0x1b5: {  	[sflag:s5] =	ssyncadd.s32 $0xFFFFC000  }
0x1b6: {  	[tilespmem:s13], [sflag:$0x1] =	stream.indirect.gather [hbm4b:s3+s14], $0x80, s18, s14, $0xb8;
	[tilespmem:$0x10400] =	vst v63  }
0x1b7: {  	_ = 	snop  }
0x1b8: {  	[tilespmem:s11], [sflag:$0x1] =	stream.indirect.gather [hbm4b:s3+s14], $0x80, s19, s14, $0xb8;
	[tilespmem:$0x10400] =	vst v63  }
0x1b9: {  	_ = 	snop  }
0x1ba: {  	[tilespmem:s10], [sflag:$0x1] =	stream.indirect.gather [hbm4b:s3+s14], $0x80, s20, s14, $0xb8;
	[tilespmem:$0x10400] =	vst v63  }
0x1bb: {  	_ = 	snop  }
0x1bc: {  	[tilespmem:s9], [sflag:$0x1] =	stream.indirect.gather [hbm4b:s3+s14], $0x80, s21, s14, $0xb8;
	[tilespmem:$0x10400] =	vst v63  }
0x1bd: {  	_ =	swait.ge [sflag:s12], $0x4000  }
0x1be: {  	[sflag:s12] =	ssyncset.done $0x0  }
0x1bf: {  	[sflag:s12] =	ssyncadd.s32 $0xFFFFC000  }
0x1c0: {  	[hbm4b:s8+s2] =	stream.linear.scatter [tilespmem:s13], [sflag:$0x2], $0x4000, $0x38;
	[tilespmem:$0x10400] =	vst v63  }
0x1c1: {  	_ =	swait.ge [sflag:s12], $0x4000  }
0x1c2: {  	[sflag:s12] =	ssyncset.done $0x0  }
0x1c3: {  	[sflag:s12] =	ssyncadd.s32 $0xFFFFC000  }
0x1c4: {  	[hbm4b:s7+s2] =	stream.linear.scatter [tilespmem:s11], [sflag:$0x2], $0x4000, $0x38;
	[tilespmem:$0x10400] =	vst v63  }
0x1c5: {  	_ =	swait.ge [sflag:s12], $0x4000  }
0x1c6: {  	[sflag:s12] =	ssyncset.done $0x0  }
0x1c7: {  	[sflag:s12] =	ssyncadd.s32 $0xFFFFC000  }
0x1c8: {  	[hbm4b:s6+s2] =	stream.linear.scatter [tilespmem:s10], [sflag:$0x2], $0x4000, $0x38;
	[tilespmem:$0x10400] =	vst v63  }
0x1c9: {  	_ =	swait.ge [sflag:s12], $0x4000  }
0x1ca: {  	[sflag:s12] =	ssyncset.done $0x0  }
0x1cb: {  	[sflag:s12] =	ssyncadd.s32 $0xFFFFC000  }
0x1cc: {  	[hbm4b:s4+s2] =	stream.linear.scatter [tilespmem:s9], [sflag:$0x2], $0x4000, $0x38;
	[tilespmem:$0x10400] =	vst v63  }
0x1cd: {  	_ =	swait.ge [sflag:s5], $0x4000  }
0x1ce: {  	[sflag:s5] =	ssyncset.done $0x0  }
0x1cf: {  	[sflag:s5] =	ssyncadd.s32 $0xFFFFC000  }
0x1d0: {  	_ =	swait.ge [sflag:s5], $0x4000  }
0x1d1: {  	[sflag:s5] =	ssyncset.done $0x0  }
0x1d2: {  	p1 =	sne.s32 s1, $0x1;
	[sflag:s5] =	ssyncadd.s32 $0xFFFFC000  }
.Ltmp2:
0x1d3: {  	_ =	swait.ge [sflag:s5], $0x4000;
	(pc) =	sbr.rel @p1 .LBB2_2-.Ltmp2, $4  }
0x1d4: {  	[sflag:s5] =	ssyncset.done $0x0  }
0x1d5: {  	[sflag:s5] =	ssyncadd.s32 $0xFFFFC000  }
0x1d6: {  	_ =	swait.ge [sflag:s5], $0x4000  }
0x1d7: {  	s1 =	sadd.s32 $0xFFFFFFFF, s1;
	s0 =	rddreg [dreg:$0x4];
	[sflag:s5] =	ssyncset.done $0x0  }
.LBB2_3:
0x1d8: {  	[sflag:s5] =	ssyncadd.s32 @p0 $0xFFFFC000  }
0x1d9: {  	[tilespmem:s2], [sflag:$0x3] =	stream.linear.gather [hbm4b:s0+s2], $0x400, $0x38;
	[tilespmem:$0x10400] =	vst v63  }
0x1da: {  	_ =	swait.ge [sflag:s22], $0x400  }
0x1db: {  	[sflag:s22] =	ssyncset.done $0x0  }
0x1dc: {  	[sflag:s22] =	ssyncadd.s32 $0xFFFFFC00  }
0x1dd: {  	[tilespmem:s13], [sflag:$0x1] =	stream.indirect.gather [hbm4b:s3+s14], $0x80, s2, s14, $0xb8;
	[tilespmem:$0x10400] =	vst v63  }
0x1de: {  	_ = 	snop  }
0x1df: {  	[tilespmem:s11], [sflag:$0x1] =	stream.indirect.gather [hbm4b:s3+s14], $0x80, s14, s14, $0xb8;
	[tilespmem:$0x10400] =	vst v63  }
0x1e0: {  	_ = 	snop  }
0x1e1: {  	[tilespmem:s10], [sflag:$0x1] =	stream.indirect.gather [hbm4b:s3+s14], $0x80, s23, s14, $0xb8;
	[tilespmem:$0x10400] =	vst v63  }
0x1e2: {  	_ = 	snop  }
0x1e3: {  	[tilespmem:s9], [sflag:$0x1] =	stream.indirect.gather [hbm4b:s3+s14], $0x80, s24, s14, $0xb8;
	[tilespmem:$0x10400] =	vst v63  }
0x1e4: {  	_ =	swait.ge [sflag:s12], $0x4000  }
0x1e5: {  	[sflag:s12] =	ssyncset.done $0x0  }
0x1e6: {  	s1 =	rddreg [dreg:$0x5];
	[sflag:s12] =	ssyncadd.s32 $0xFFFFC000  }
0x1e7: {  	[hbm4b:s1+s2] =	stream.linear.scatter [tilespmem:s13], [sflag:$0x2], $0x4000, $0x38;
	[tilespmem:$0x10400] =	vst v63  }
0x1e8: {  	_ =	swait.ge [sflag:s12], $0x4000  }
0x1e9: {  	[sflag:s12] =	ssyncset.done $0x0  }
0x1ea: {  	s1 =	rddreg [dreg:$0xa];
	[sflag:s12] =	ssyncadd.s32 $0xFFFFC000  }
0x1eb: {  	[hbm4b:s1+s2] =	stream.linear.scatter [tilespmem:s11], [sflag:$0x2], $0x4000, $0x38;
	[tilespmem:$0x10400] =	vst v63  }
0x1ec: {  	_ =	swait.ge [sflag:s12], $0x4000  }
0x1ed: {  	[sflag:s12] =	ssyncset.done $0x0  }
0x1ee: {  	s1 =	rddreg [dreg:$0xb];
	[sflag:s12] =	ssyncadd.s32 $0xFFFFC000  }
0x1ef: {  	[hbm4b:s1+s2] =	stream.linear.scatter [tilespmem:s10], [sflag:$0x2], $0x4000, $0x38;
	[tilespmem:$0x10400] =	vst v63  }
0x1f0: {  	_ =	swait.ge [sflag:s12], $0x4000  }
0x1f1: {  	[sflag:s12] =	ssyncset.done $0x0  }
0x1f2: {  	s1 =	rddreg [dreg:$0xc];
	[sflag:s12] =	ssyncadd.s32 $0xFFFFC000  }
0x1f3: {  	[hbm4b:s1+s2] =	stream.linear.scatter [tilespmem:s9], [sflag:$0x2], $0x4000, $0x38;
	[tilespmem:$0x10400] =	vst v63  }
0x1f4: {  	_ =	swait.ge [sflag:s5], $0x4000  }
0x1f5: {  	[sflag:s5] =	ssyncset.done $0x0  }
0x1f6: {  	[sflag:s5] =	ssyncadd.s32 $0xFFFFC000  }
0x1f7: {  	_ =	swait.ge [sflag:s5], $0x4000  }
0x1f8: {  	[sflag:s5] =	ssyncset.done $0x0  }
0x1f9: {  	[sflag:s5] =	ssyncadd.s32 $0xFFFFC000  }
0x1fa: {  	_ =	swait.ge [sflag:s5], $0x4000  }
0x1fb: {  	[sflag:s5] =	ssyncset.done $0x0  }
0x1fc: {  	[sflag:s5] =	ssyncadd.s32 $0xFFFFC000  }
0x1fd: {  	_ =	swait.ge [sflag:s5], $0x4000  }
0x1fe: {  	[sflag:s5] =	ssyncset.done $0x0  }
0x1ff: {  	[sflag:s5] =	ssyncadd.s32 $0xFFFFC000  }
0x200: {  	[tilespmem:s13], [sflag:$0x1] =	stream.indirect.gather [hbm4b:s3+s14], $0x80, s18, s14, $0xb8;
	[tilespmem:$0x10400] =	vst v63  }
0x201: {  	_ = 	snop  }
0x202: {  	[tilespmem:s11], [sflag:$0x1] =	stream.indirect.gather [hbm4b:s3+s14], $0x80, s19, s14, $0xb8;
	[tilespmem:$0x10400] =	vst v63  }
0x203: {  	_ = 	snop  }
0x204: {  	[tilespmem:s10], [sflag:$0x1] =	stream.indirect.gather [hbm4b:s3+s14], $0x80, s20, s14, $0xb8;
	[tilespmem:$0x10400] =	vst v63  }
0x205: {  	_ = 	snop  }
0x206: {  	[tilespmem:s9], [sflag:$0x1] =	stream.indirect.gather [hbm4b:s3+s14], $0x80, s21, s14, $0xb8;
	[tilespmem:$0x10400] =	vst v63  }
0x207: {  	_ =	swait.ge [sflag:s12], $0x4000  }
0x208: {  	[sflag:s12] =	ssyncset.done $0x0  }
0x209: {  	s1 =	rddreg [dreg:$0xd];
	[sflag:s12] =	ssyncadd.s32 $0xFFFFC000  }
0x20a: {  	[hbm4b:s1+s2] =	stream.linear.scatter [tilespmem:s13], [sflag:$0x2], $0x4000, $0x38;
	[tilespmem:$0x10400] =	vst v63  }
0x20b: {  	_ =	swait.ge [sflag:s12], $0x4000  }
0x20c: {  	[sflag:s12] =	ssyncset.done $0x0  }
0x20d: {  	s1 =	rddreg [dreg:$0xe];
	[sflag:s12] =	ssyncadd.s32 $0xFFFFC000  }
0x20e: {  	[hbm4b:s1+s2] =	stream.linear.scatter [tilespmem:s11], [sflag:$0x2], $0x4000, $0x38;
	[tilespmem:$0x10400] =	vst v63  }
0x20f: {  	_ =	swait.ge [sflag:s12], $0x4000  }
0x210: {  	[sflag:s12] =	ssyncset.done $0x0  }
0x211: {  	s1 =	rddreg [dreg:$0xf];
	[sflag:s12] =	ssyncadd.s32 $0xFFFFC000  }
0x212: {  	[hbm4b:s1+s2] =	stream.linear.scatter [tilespmem:s10], [sflag:$0x2], $0x4000, $0x38;
	[tilespmem:$0x10400] =	vst v63  }
0x213: {  	_ =	swait.ge [sflag:s12], $0x4000  }
0x214: {  	[sflag:s12] =	ssyncset.done $0x0  }
0x215: {  	s1 =	rddreg [dreg:$0x10];
	[sflag:s12] =	ssyncadd.s32 $0xFFFFC000  }
0x216: {  	[hbm4b:s1+s2] =	stream.linear.scatter [tilespmem:s9], [sflag:$0x2], $0x4000, $0x38;
	[tilespmem:$0x10400] =	vst v63  }
0x217: {  	_ =	swait.ge [sflag:s5], $0x4000  }
0x218: {  	[sflag:s5] =	ssyncset.done $0x0  }
0x219: {  	[sflag:s5] =	ssyncadd.s32 $0xFFFFC000  }
0x21a: {  	_ =	swait.ge [sflag:s5], $0x4000  }
0x21b: {  	[sflag:s5] =	ssyncset.done $0x0  }
0x21c: {  	[sflag:s5] =	ssyncadd.s32 $0xFFFFC000  }
0x21d: {  	_ =	swait.ge [sflag:s5], $0x4000  }
0x21e: {  	[sflag:s5] =	ssyncset.done $0x0  }
0x21f: {  	[sflag:s5] =	ssyncadd.s32 $0xFFFFC000  }
0x220: {  	_ =	swait.ge [sflag:s5], $0x4000  }
0x221: {  	[sflag:s5] =	ssyncset.done $0x0  }
0x222: {  	s1 =	rddreg [dreg:$0x6];
	[sflag:s5] =	ssyncadd.s32 $0xFFFFC000  }
0x223: {  	[tilespmem:s2], [sflag:$0x3] =	stream.linear.gather [hbm4b:s1+s2], $0x400, $0x38;
	[tilespmem:$0x10400] =	vst v63  }
0x224: {  	_ =	swait.ge [sflag:s22], $0x400  }
0x225: {  	[sflag:s22] =	ssyncset.done $0x0  }
0x226: {  	[sflag:s22] =	ssyncadd.s32 $0xFFFFFC00  }
0x227: {  	[tilespmem:s13], [sflag:$0x1] =	stream.indirect.gather [hbm4b:s3+s14], $0x80, s2, s14, $0xb8;
	[tilespmem:$0x10400] =	vst v63  }
0x228: {  	_ = 	snop  }
0x229: {  	[tilespmem:s11], [sflag:$0x1] =	stream.indirect.gather [hbm4b:s3+s14], $0x80, s14, s14, $0xb8;
	[tilespmem:$0x10400] =	vst v63  }
0x22a: {  	_ = 	snop  }
0x22b: {  	[tilespmem:s10], [sflag:$0x1] =	stream.indirect.gather [hbm4b:s3+s14], $0x80, s23, s14, $0xb8;
	[tilespmem:$0x10400] =	vst v63  }
0x22c: {  	_ = 	snop  }
0x22d: {  	[tilespmem:s9], [sflag:$0x1] =	stream.indirect.gather [hbm4b:s3+s14], $0x80, s24, s14, $0xb8;
	[tilespmem:$0x10400] =	vst v63  }
0x22e: {  	_ =	swait.ge [sflag:s12], $0x4000  }
0x22f: {  	[sflag:s12] =	ssyncset.done $0x0  }
0x230: {  	s1 =	rddreg [dreg:$0x7];
	[sflag:s12] =	ssyncadd.s32 $0xFFFFC000  }
0x231: {  	[hbm4b:s1+s2] =	stream.linear.scatter [tilespmem:s13], [sflag:$0x2], $0x4000, $0x38;
	[tilespmem:$0x10400] =	vst v63  }
0x232: {  	_ =	swait.ge [sflag:s12], $0x4000  }
0x233: {  	[sflag:s12] =	ssyncset.done $0x0  }
0x234: {  	s1 =	rddreg [dreg:$0x11];
	[sflag:s12] =	ssyncadd.s32 $0xFFFFC000  }
0x235: {  	[hbm4b:s1+s2] =	stream.linear.scatter [tilespmem:s11], [sflag:$0x2], $0x4000, $0x38;
	[tilespmem:$0x10400] =	vst v63  }
0x236: {  	_ =	swait.ge [sflag:s12], $0x4000  }
0x237: {  	[sflag:s12] =	ssyncset.done $0x0  }
0x238: {  	[sflag:s12] =	ssyncadd.s32 $0xFFFFC000  }
0x239: {  	[hbm4b:s31+s2] =	stream.linear.scatter [tilespmem:s10], [sflag:$0x2], $0x4000, $0x38;
	[tilespmem:$0x10400] =	vst v63  }
0x23a: {  	_ =	swait.ge [sflag:s12], $0x4000  }
0x23b: {  	[sflag:s12] =	ssyncset.done $0x0  }
0x23c: {  	[sflag:s12] =	ssyncadd.s32 $0xFFFFC000  }
0x23d: {  	[hbm4b:s30+s2] =	stream.linear.scatter [tilespmem:s9], [sflag:$0x2], $0x4000, $0x38;
	[tilespmem:$0x10400] =	vst v63  }
0x23e: {  	_ =	swait.ge [sflag:s5], $0x4000  }
0x23f: {  	[sflag:s5] =	ssyncset.done $0x0  }
0x240: {  	[sflag:s5] =	ssyncadd.s32 $0xFFFFC000  }
0x241: {  	_ =	swait.ge [sflag:s5], $0x4000  }
0x242: {  	[sflag:s5] =	ssyncset.done $0x0  }
0x243: {  	[sflag:s5] =	ssyncadd.s32 $0xFFFFC000  }
0x244: {  	_ =	swait.ge [sflag:s5], $0x4000  }
0x245: {  	[sflag:s5] =	ssyncset.done $0x0  }
0x246: {  	[sflag:s5] =	ssyncadd.s32 $0xFFFFC000  }
0x247: {  	_ =	swait.ge [sflag:s5], $0x4000  }
0x248: {  	[sflag:s5] =	ssyncset.done $0x0  }
0x249: {  	[sflag:s5] =	ssyncadd.s32 $0xFFFFC000  }
0x24a: {  	[tilespmem:s13], [sflag:$0x1] =	stream.indirect.gather [hbm4b:s3+s14], $0x80, s18, s14, $0xb8;
	[tilespmem:$0x10400] =	vst v63  }
0x24b: {  	_ = 	snop  }
0x24c: {  	[tilespmem:s11], [sflag:$0x1] =	stream.indirect.gather [hbm4b:s3+s14], $0x80, s19, s14, $0xb8;
	[tilespmem:$0x10400] =	vst v63  }
0x24d: {  	_ = 	snop  }
0x24e: {  	[tilespmem:s10], [sflag:$0x1] =	stream.indirect.gather [hbm4b:s3+s14], $0x80, s20, s14, $0xb8;
	[tilespmem:$0x10400] =	vst v63  }
0x24f: {  	_ = 	snop  }
0x250: {  	[tilespmem:s9], [sflag:$0x1] =	stream.indirect.gather [hbm4b:s3+s14], $0x80, s21, s14, $0xb8;
	[tilespmem:$0x10400] =	vst v63  }
0x251: {  	_ =	swait.ge [sflag:s12], $0x4000  }
0x252: {  	[sflag:s12] =	ssyncset.done $0x0  }
0x253: {  	[sflag:s12] =	ssyncadd.s32 $0xFFFFC000  }
0x254: {  	[hbm4b:s29+s2] =	stream.linear.scatter [tilespmem:s13], [sflag:$0x2], $0x4000, $0x38;
	[tilespmem:$0x10400] =	vst v63  }
0x255: {  	_ =	swait.ge [sflag:s12], $0x4000  }
0x256: {  	[sflag:s12] =	ssyncset.done $0x0  }
0x257: {  	[sflag:s12] =	ssyncadd.s32 $0xFFFFC000  }
0x258: {  	[hbm4b:s28+s2] =	stream.linear.scatter [tilespmem:s11], [sflag:$0x2], $0x4000, $0x38;
	[tilespmem:$0x10400] =	vst v63  }
0x259: {  	_ =	swait.ge [sflag:s12], $0x4000  }
0x25a: {  	[sflag:s12] =	ssyncset.done $0x0  }
0x25b: {  	[sflag:s12] =	ssyncadd.s32 $0xFFFFC000  }
0x25c: {  	[hbm4b:s26+s2] =	stream.linear.scatter [tilespmem:s10], [sflag:$0x2], $0x4000, $0x38;
	[tilespmem:$0x10400] =	vst v63  }
0x25d: {  	_ =	swait.ge [sflag:s12], $0x4000  }
0x25e: {  	[sflag:s12] =	ssyncset.done $0x0  }
0x25f: {  	[sflag:s12] =	ssyncadd.s32 $0xFFFFC000  }
0x260: {  	[hbm4b:s25+s2] =	stream.linear.scatter [tilespmem:s9], [sflag:$0x2], $0x4000, $0x38;
	[tilespmem:$0x10400] =	vst v63  }
0x261: {  	_ =	swait.ge [sflag:s5], $0x4000  }
0x262: {  	[sflag:s5] =	ssyncset.done $0x0  }
0x263: {  	[sflag:s5] =	ssyncadd.s32 $0xFFFFC000  }
0x264: {  	_ =	swait.ge [sflag:s5], $0x4000  }
0x265: {  	[sflag:s5] =	ssyncset.done $0x0  }
0x266: {  	[sflag:s5] =	ssyncadd.s32 $0xFFFFC000  }
0x267: {  	_ =	swait.ge [sflag:s5], $0x4000  }
0x268: {  	[sflag:s5] =	ssyncset.done $0x0  }
0x269: {  	[sflag:s5] =	ssyncadd.s32 $0xFFFFC000  }
0x26a: {  	_ =	swait.ge [sflag:s5], $0x4000  }
0x26b: {  	[sflag:s5] =	ssyncset.done $0x0  }
0x26c: {  	s29 =	rddreg [dreg:$0x8];
	[sflag:s5] =	ssyncadd.s32 $0xFFFFC000  }
0x26d: {  	[tilespmem:s2], [sflag:$0x3] =	stream.linear.gather [hbm4b:s29+s2], $0x400, $0x38;
	[tilespmem:$0x10400] =	vst v63  }
0x26e: {  	_ =	swait.ge [sflag:s22], $0x400  }
0x26f: {  	[sflag:s22] =	ssyncset.done $0x0  }
0x270: {  	[sflag:s22] =	ssyncadd.s32 $0xFFFFFC00  }
0x271: {  	[tilespmem:s13], [sflag:$0x1] =	stream.indirect.gather [hbm4b:s3+s14], $0x80, s2, s14, $0xb8;
	[tilespmem:$0x10400] =	vst v63  }
0x272: {  	_ = 	snop  }
0x273: {  	[tilespmem:s11], [sflag:$0x1] =	stream.indirect.gather [hbm4b:s3+s14], $0x80, s14, s14, $0xb8;
	[tilespmem:$0x10400] =	vst v63  }
0x274: {  	_ = 	snop  }
0x275: {  	[tilespmem:s10], [sflag:$0x1] =	stream.indirect.gather [hbm4b:s3+s14], $0x80, s23, s14, $0xb8;
	[tilespmem:$0x10400] =	vst v63  }
0x276: {  	_ = 	snop  }
0x277: {  	[tilespmem:s9], [sflag:$0x1] =	stream.indirect.gather [hbm4b:s3+s14], $0x80, s24, s14, $0xb8;
	[tilespmem:$0x10400] =	vst v63  }
0x278: {  	_ =	swait.ge [sflag:s12], $0x4000  }
0x279: {  	[sflag:s12] =	ssyncset.done $0x0  }
0x27a: {  	s30 =	rddreg [dreg:$0x9];
	[sflag:s12] =	ssyncadd.s32 $0xFFFFC000  }
0x27b: {  	[hbm4b:s30+s2] =	stream.linear.scatter [tilespmem:s13], [sflag:$0x2], $0x4000, $0x38;
	[tilespmem:$0x10400] =	vst v63  }
0x27c: {  	_ =	swait.ge [sflag:s12], $0x4000  }
0x27d: {  	[sflag:s12] =	ssyncset.done $0x0  }
0x27e: {  	[sflag:s12] =	ssyncadd.s32 $0xFFFFC000  }
0x27f: {  	[hbm4b:s17+s2] =	stream.linear.scatter [tilespmem:s11], [sflag:$0x2], $0x4000, $0x38;
	[tilespmem:$0x10400] =	vst v63  }
0x280: {  	_ =	swait.ge [sflag:s12], $0x4000  }
0x281: {  	[sflag:s12] =	ssyncset.done $0x0  }
0x282: {  	[sflag:s12] =	ssyncadd.s32 $0xFFFFC000  }
0x283: {  	[hbm4b:s16+s2] =	stream.linear.scatter [tilespmem:s10], [sflag:$0x2], $0x4000, $0x38;
	[tilespmem:$0x10400] =	vst v63  }
0x284: {  	_ =	swait.ge [sflag:s12], $0x4000  }
0x285: {  	[sflag:s12] =	ssyncset.done $0x0  }
0x286: {  	[sflag:s12] =	ssyncadd.s32 $0xFFFFC000  }
0x287: {  	[hbm4b:s15+s2] =	stream.linear.scatter [tilespmem:s9], [sflag:$0x2], $0x4000, $0x38;
	[tilespmem:$0x10400] =	vst v63  }
0x288: {  	_ =	swait.ge [sflag:s5], $0x4000  }
0x289: {  	[sflag:s5] =	ssyncset.done $0x0  }
0x28a: {  	[sflag:s5] =	ssyncadd.s32 $0xFFFFC000  }
0x28b: {  	_ =	swait.ge [sflag:s5], $0x4000  }
0x28c: {  	[sflag:s5] =	ssyncset.done $0x0  }
0x28d: {  	[sflag:s5] =	ssyncadd.s32 $0xFFFFC000  }
0x28e: {  	_ =	swait.ge [sflag:s5], $0x4000  }
0x28f: {  	[sflag:s5] =	ssyncset.done $0x0  }
0x290: {  	[sflag:s5] =	ssyncadd.s32 $0xFFFFC000  }
0x291: {  	_ =	swait.ge [sflag:s5], $0x4000  }
0x292: {  	[sflag:s5] =	ssyncset.done $0x0  }
0x293: {  	[sflag:s5] =	ssyncadd.s32 $0xFFFFC000  }
0x294: {  	[tilespmem:s13], [sflag:$0x1] =	stream.indirect.gather [hbm4b:s3+s14], $0x80, s18, s14, $0xb8;
	[tilespmem:$0x10400] =	vst v63  }
0x295: {  	_ = 	snop  }
0x296: {  	[tilespmem:s11], [sflag:$0x1] =	stream.indirect.gather [hbm4b:s3+s14], $0x80, s19, s14, $0xb8;
	[tilespmem:$0x10400] =	vst v63  }
0x297: {  	_ = 	snop  }
0x298: {  	[tilespmem:s10], [sflag:$0x1] =	stream.indirect.gather [hbm4b:s3+s14], $0x80, s20, s14, $0xb8;
	[tilespmem:$0x10400] =	vst v63  }
0x299: {  	_ = 	snop  }
0x29a: {  	[tilespmem:s9], [sflag:$0x1] =	stream.indirect.gather [hbm4b:s3+s14], $0x80, s21, s14, $0xb8;
	[tilespmem:$0x10400] =	vst v63  }
0x29b: {  	_ =	swait.ge [sflag:s12], $0x4000  }
0x29c: {  	[sflag:s12] =	ssyncset.done $0x0  }
0x29d: {  	[sflag:s12] =	ssyncadd.s32 $0xFFFFC000  }
0x29e: {  	[hbm4b:s8+s2] =	stream.linear.scatter [tilespmem:s13], [sflag:$0x2], $0x4000, $0x38;
	[tilespmem:$0x10400] =	vst v63  }
0x29f: {  	_ =	swait.ge [sflag:s12], $0x4000  }
0x2a0: {  	[sflag:s12] =	ssyncset.done $0x0  }
0x2a1: {  	[sflag:s12] =	ssyncadd.s32 $0xFFFFC000  }
0x2a2: {  	[hbm4b:s7+s2] =	stream.linear.scatter [tilespmem:s11], [sflag:$0x2], $0x4000, $0x38;
	[tilespmem:$0x10400] =	vst v63  }
0x2a3: {  	_ =	swait.ge [sflag:s12], $0x4000  }
0x2a4: {  	[sflag:s12] =	ssyncset.done $0x0  }
0x2a5: {  	[sflag:s12] =	ssyncadd.s32 $0xFFFFC000  }
0x2a6: {  	[hbm4b:s6+s2] =	stream.linear.scatter [tilespmem:s10], [sflag:$0x2], $0x4000, $0x38;
	[tilespmem:$0x10400] =	vst v63  }
0x2a7: {  	_ =	swait.ge [sflag:s12], $0x4000  }
0x2a8: {  	[sflag:s12] =	ssyncset.done $0x0  }
0x2a9: {  	[sflag:s12] =	ssyncadd.s32 $0xFFFFC000  }
0x2aa: {  	[hbm4b:s4+s2] =	stream.linear.scatter [tilespmem:s9], [sflag:$0x2], $0x4000, $0x38;
	[tilespmem:$0x10400] =	vst v63  }
0x2ab: {  	_ =	swait.ge [sflag:s5], $0x4000  }
0x2ac: {  	[sflag:s5] =	ssyncset.done $0x0  }
0x2ad: {  	[sflag:s5] =	ssyncadd.s32 $0xFFFFC000  }
0x2ae: {  	_ =	swait.ge [sflag:s5], $0x4000  }
0x2af: {  	[sflag:s5] =	ssyncset.done $0x0  }
0x2b0: {  	[sflag:s5] =	ssyncadd.s32 $0xFFFFC000  }
0x2b1: {  	_ =	swait.ge [sflag:s5], $0x4000  }
0x2b2: {  	[sflag:s5] =	ssyncset.done $0x0  }
0x2b3: {  	[sflag:s5] =	ssyncadd.s32 $0xFFFFC000  }
0x2b4: {  	_ =	swait.ge [sflag:s5], $0x4000  }
0x2b5: {  	[sflag:s5] =	ssyncset.done $0x0  }
0x2b6: {  	[sflag:s5] =	ssyncadd.s32 $0xFFFFC000  }
0x2b7: {  	_ =	sfence.sel $0x180000  }
0x2b8: {  	[bflag:$0x0] =	sbarrier.arrive $0xFFFF  }
0x2b9: {  	_ =	strace $0x90000047  }
0x2ba: {  	s31 =	stileid.u32;
	[bflag:$0x2] =	sbarrier.arrive $0xFFFF  }
0x2bb: {  	p0 =	sne.s32 s31, $0x0;
	s0 =	rddreg [dreg:$0x3]  }
0x2bc: {  	s0 =	sadd.s32 @!p0 $0x100000, s0  }
0x2bd: {  	[sflag:s0] =	ssyncadd.tile.s32 @!p0 $0x1;
	_ =	shalt  }
.Lfunc_end2:
_tile_overlayer_lowered:
.L_overlay_start_2:
0x2be: {  	(tag) =	ssettag $0x2  }
0x2bf: {  	s0 =	rddreg [dreg:$0x0];
	s2 =	stileid.u32  }
0x2c0: {  	s1 =	rddreg [dreg:$0x1];
	p0 =	sne.s32 s2, $0x0  }
0x2c1: {  	s3 =	rddreg [dreg:$0x2];
	[bflag:$0x3] =	sbarrier.arrive $0xFFFF;
	s2 =	simm.s32 @!p0 $0x1C03  }
0x2c2: {  	[timem:s3], [sflag:s2] =	dma.local @!p0 [hbm:s0], s1  }
0x2c3: {  	s0 =	simm.s32 @!p0 $0x3  }
0x2c4: {  	_ =	swait.ge @!p0 [sflag:s0], s1  }
0x2c5: {  	s1 =	ssub.s32 @!p0 $0x0, s1;
	[sflag:s0] =	ssyncset.done @!p0 $0x0  }
0x2c6: {  	[sflag:s0] =	ssyncadd.s32 @!p0 s1  }
0x2c7: {  	[bflag:$0x3] =	sbarrier.arrive $0xFFFF  }
0x2c8: {  	_ =	shalt  }

</sc_bundles>
